<compile_context>
chip_gen: v7x
topology: tpu7x:2x2x1
jax: 0.10.2.dev20260603
libtpu: 0.0.44.dev20260713+nightly
codegen_flags: <defaults>
</compile_context>

<pallas_src>
import functools

import jax
import jax.numpy as jnp
from jax import lax
from jax.experimental import pallas as pl
from jax.experimental.pallas import tpu as pltpu
from jax.experimental.pallas import tpu_sc as plsc

E = 8
K = 2
CAP_RATIO = 1.05

NC = 2
NS = 16
NW = NC * NS
L = 16

_MESH = plsc.VectorSubcoreMesh(core_axis_name="c", subcore_axis_name="s")


def _route_call(xf, wgt, T, D, cap, capP):
  R = E * capP
  LN = 128

  def body(x_ref, wg_ref, dsc0_ref, dsc1_ref, dg0_ref, dg1_ref,
           w0_ref, w1_ref, oh_s, tb_s):
    xx = x_ref[...]
    logits = jnp.dot(xx, wg_ref[...], preferred_element_type=jnp.float32)
    lane = lax.broadcasted_iota(jnp.int32, (T, LN), 1)
    valid = lane < E
    logits = jnp.where(valid, logits, jnp.float32(-1e30))
    m = jnp.max(logits, axis=1, keepdims=True)
    ex = jnp.where(valid, jnp.exp(logits - m), 0.0)
    gates = ex / jnp.sum(ex, axis=1, keepdims=True)

    g0 = jnp.max(gates, axis=1, keepdims=True)
    e0 = jnp.min(jnp.where((gates == g0) & valid, lane, LN), axis=1,
                 keepdims=True)
    gates1 = jnp.where(lane == e0, -1.0, gates)
    g1 = jnp.max(gates1, axis=1, keepdims=True)
    e1 = jnp.min(jnp.where((gates1 == g1) & valid, lane, LN), axis=1,
                 keepdims=True)

    ti = lax.broadcasted_iota(jnp.int32, (LN, LN), 0)
    tj = lax.broadcasted_iota(jnp.int32, (LN, LN), 1)
    tri = (tj < ti).astype(jnp.float32)

    def occ_count(e_idx, prior):
      oh_s[...] = (lane == e_idx).astype(jnp.float32)

      def chunk(c, carry):
        blk = oh_s[pl.ds(c * LN, LN), :]
        occ = carry + jnp.dot(tri, blk, preferred_element_type=jnp.float32)
        tb_s[pl.ds(c * LN, LN), :] = jnp.sum(occ * blk, axis=1, keepdims=True)
        return carry + jnp.sum(blk, axis=0, keepdims=True)

      lax.fori_loop(0, T // LN, chunk, prior)
      return tb_s[...]

    capf = jnp.float32(cap)

    tb0 = occ_count(e0, jnp.zeros((1, LN), jnp.float32))
    adm0 = tb0 < capf
    p0 = tb0.astype(jnp.int32)
    slot0 = e0 * capP + p0
    dsc0_ref[...] = jnp.where(adm0, slot0, R)
    dg0_ref[...] = jnp.where(adm0, slot0, e0 * capP + (capP - 1))
    w0_ref[...] = jnp.where(adm0, g0, 0.0)
    prior = jnp.sum(oh_s[...] * jnp.where(adm0, 1.0, 0.0), axis=0,
                    keepdims=True)

    tb1 = occ_count(e1, prior)
    adm1 = tb1 < capf
    p1 = tb1.astype(jnp.int32)
    slot1 = e1 * capP + p1
    dsc1_ref[...] = jnp.where(adm1, slot1, R)
    dg1_ref[...] = jnp.where(adm1, slot1, e1 * capP + (capP - 1))
    w1_ref[...] = jnp.where(adm1, g1, 0.0)

  i32 = jax.ShapeDtypeStruct((T, 1), jnp.int32)
  f32 = jax.ShapeDtypeStruct((T, 1), jnp.float32)
  return pl.pallas_call(
      body,
      out_shape=(i32, i32, i32, i32, f32, f32),
      scratch_shapes=[
          pltpu.VMEM((T, LN), jnp.float32),
          pltpu.VMEM((T, 1), jnp.float32),
      ],
  )(xf, wgt)


def _dispatch_call(dsc0, dsc1, xf, T, D, capP):
  R = E * capP
  RP = R + L
  rows_per_tile = R // NW

  @functools.partial(
      pl.kernel,
      out_type=jax.ShapeDtypeStruct((R, D), jnp.float32),
      mesh=_MESH,
      scratch_types=[
          pltpu.VMEM((RP,), jnp.int32),
          pltpu.VMEM((T,), jnp.int32),
          pltpu.VMEM((T,), jnp.int32),
          pltpu.VMEM((rows_per_tile, D), jnp.float32),
          pltpu.SemaphoreType.DMA,
      ],
      compiler_params=pltpu.CompilerParams(needs_layout_passes=False),
  )
  def k(d0_hbm, d1_hbm, x_hbm, xd_hbm, slots_v, d0_v, d1_v, rows_v, sem):
    wid = lax.axis_index("s") * NC + lax.axis_index("c")
    pltpu.sync_copy(d0_hbm, d0_v)
    pltpu.sync_copy(d1_hbm, d1_v)

    def zero(i, c):
      slots_v[pl.ds(i * L, L)] = jnp.zeros((L,), jnp.int32)
      return c

    lax.fori_loop(0, RP // L, zero, 0)

    def scat(i, c):
      tok = i * L + lax.iota(jnp.int32, L)
      plsc.store_scatter(slots_v, [d0_v[pl.ds(i * L, L)]], tok)
      plsc.store_scatter(slots_v, [d1_v[pl.ds(i * L, L)]], tok)
      return c

    lax.fori_loop(0, T // L, scat, 0)

    base = wid * rows_per_tile
    idx = slots_v.at[pl.ds(base, rows_per_tile)]
    pltpu.async_copy(x_hbm.at[idx], rows_v, sem).wait()
    pltpu.sync_copy(rows_v, xd_hbm.at[pl.ds(base, rows_per_tile)])

  return k(dsc0, dsc1, xf)


def _experts_call(xd, W1, b1, W2, b2, capP, D, H):
  HT = 1536
  nh = H // HT

  def body(xd_ref, w1_ref, b1_ref, w2_ref, b2_ref, out_ref):
    hid = pl.program_id(1)
    x = xd_ref[0]
    h = lax.dot_general(x, w1_ref[0], (((1,), (1,)), ((), ())),
                        preferred_element_type=jnp.float32)
    h = h + b1_ref[0]
    h = 0.5 * h * (1.0 + lax.erf(h * 0.7071067811865476))
    part = lax.dot_general(h, w2_ref[0], (((1,), (1,)), ((), ())),
                           preferred_element_type=jnp.float32)

    @pl.when(hid == 0)
    def _():
      out_ref[0] = jnp.broadcast_to(b2_ref[0], (capP, D))

    out_ref[0] += part

  return pl.pallas_call(
      body,
      grid=(E, nh),
      in_specs=[
          pl.BlockSpec((1, capP, D), lambda e, h: (e, 0, 0)),
          pl.BlockSpec((1, HT, D), lambda e, h: (e, h, 0)),
          pl.BlockSpec((1, 1, HT), lambda e, h: (e, 0, h)),
          pl.BlockSpec((1, D, HT), lambda e, h: (e, 0, h)),
          pl.BlockSpec((1, 1, D), lambda e, h: (e, 0, 0)),
      ],
      out_specs=pl.BlockSpec((1, capP, D), lambda e, h: (e, 0, 0)),
      out_shape=jax.ShapeDtypeStruct((E, capP, D), jnp.float32),
      compiler_params=pltpu.CompilerParams(
          dimension_semantics=("parallel", "arbitrary")),
  )(xd, W1, b1.reshape(E, 1, H), W2, b2.reshape(E, 1, D))


def _combine_call(dg0, dg1, w0, w1, yd, T, D):
  tok_per_tile = T // NW

  @functools.partial(
      pl.kernel,
      out_type=jax.ShapeDtypeStruct((T, D), jnp.float32),
      mesh=_MESH,
      scratch_types=[
          pltpu.VMEM((tok_per_tile,), jnp.int32),
          pltpu.VMEM((tok_per_tile,), jnp.int32),
          pltpu.VMEM((tok_per_tile, D), jnp.float32),
          pltpu.VMEM((tok_per_tile, D), jnp.float32),
          pltpu.VMEM((tok_per_tile,), jnp.float32),
          pltpu.VMEM((tok_per_tile,), jnp.float32),
          pltpu.SemaphoreType.DMA,
      ],
      compiler_params=pltpu.CompilerParams(needs_layout_passes=False),
  )
  def k(dg0_hbm, dg1_hbm, w0_hbm, w1_hbm, yd_hbm, out_hbm,
        i0_v, i1_v, r0_v, r1_v, w0_v, w1_v, sem):
    wid = lax.axis_index("s") * NC + lax.axis_index("c")
    base = wid * tok_per_tile
    pltpu.sync_copy(dg0_hbm.at[pl.ds(base, tok_per_tile)], i0_v)
    pltpu.sync_copy(dg1_hbm.at[pl.ds(base, tok_per_tile)], i1_v)
    pltpu.sync_copy(w0_hbm.at[pl.ds(base, tok_per_tile)], w0_v)
    pltpu.sync_copy(w1_hbm.at[pl.ds(base, tok_per_tile)], w1_v)
    pltpu.async_copy(yd_hbm.at[i0_v], r0_v, sem).wait()
    pltpu.async_copy(yd_hbm.at[i1_v], r1_v, sem).wait()

    def tok(j, c):
      jv = jnp.full((L,), j, jnp.int32)
      a = plsc.load_gather(w0_v, [jv])
      b = plsc.load_gather(w1_v, [jv])
      for v in range(D // L):
        sl = pl.ds(v * L, L)
        r0_v[j, sl] = a * r0_v[j, sl] + b * r1_v[j, sl]
      return c

    lax.fori_loop(0, tok_per_tile, tok, 0)
    pltpu.sync_copy(r0_v, out_hbm.at[pl.ds(base, tok_per_tile)])

  return k(dg0, dg1, w0, w1, yd)


def kernel(x, Wg, W1, b1, W2, b2):
  B, S, D = x.shape
  H = W1.shape[1]
  T = B * S
  cap = round(K * T * CAP_RATIO / E)
  capP = ((cap + 1 + 7) // 8) * 8
  R = E * capP
  assert T % (NW * 8) == 0 and R % (NW * 8) == 0 and D % L == 0

  xf = x.reshape(T, D)
  wgt = jnp.zeros((D, 128), jnp.float32).at[:, :E].set(Wg.T)

  dsc0, dsc1, dg0, dg1, w0, w1 = _route_call(xf, wgt, T, D, cap, capP)

  xd = _dispatch_call(dsc0.reshape(T), dsc1.reshape(T), xf, T, D, capP)

  yd = _experts_call(xd.reshape(E, capP, D), W1, b1, W2, b2, capP, D, H)

  out = _combine_call(dg0.reshape(T), dg1.reshape(T),
                      w0.reshape(T), w1.reshape(T),
                      yd.reshape(R, D), T, D)
  return out.reshape(B, S, D)

# --- scband reference (transcript-rebuilt; emitter-appended) ---
"""Pipeline reference for scband-sparse-mo-e-80376017977982 (READ-ONLY COPY).

The authoritative reference and input builder live on the scoring server;
editing this copy changes nothing except your own understanding.
"""

import jax, jax.numpy as jnp
import numpy as np

E = 8
K = 2
D = 768
H = 3072
B = 1
S = 2048
CAP_RATIO = 1.05


def setup_inputs(seed: int = 0) -> dict:
    key = jax.random.key(seed)
    ks = jax.random.split(key, 6)
    x = jax.random.normal(ks[0], (B, S, D), dtype=jnp.float32)
    Wg = jax.random.normal(ks[1], (E, D), dtype=jnp.float32) / np.sqrt(D)
    W1 = jax.random.normal(ks[2], (E, H, D), dtype=jnp.float32) / np.sqrt(D)
    b1 = jnp.zeros((E, H), dtype=jnp.float32)
    W2 = jax.random.normal(ks[3], (E, D, H), dtype=jnp.float32) / np.sqrt(H)
    b2 = jnp.zeros((E, D), dtype=jnp.float32)
    return {"x": x, "Wg": Wg, "W1": W1, "b1": b1, "W2": W2, "b2": b2}


def reference(x, Wg, W1, b1, W2, b2):
    # Eval-mode forward of SparseMoE (no router noise, dropout=0).
    Bx, Sx, Dx = x.shape
    xf = x.reshape(-1, Dx)
    T = xf.shape[0]
    # NoisyTopExpertsPerItemRouter (eval: no noise)
    logits = xf @ Wg.T
    gates = jax.nn.softmax(logits, axis=-1)
    topg, topi = jax.lax.top_k(gates, K)  # combine_weights, top_k_indices
    # Capacity-limited admission. The sequential per-token loop in the torch
    # code admits, for each expert, the first `cap` token-slot occurrences in
    # (slot-major, token-minor) order; remaining capacity carries across slots.
    cap = round(K * T * CAP_RATIO / E)
    prior = jnp.zeros((E,), dtype=jnp.int32)
    within = []
    for s in range(K):
        e = topi[:, s]
        oh = jax.nn.one_hot(e, E, dtype=jnp.int32)
        occ_before = jnp.cumsum(oh, axis=0) - oh  # occurrences before token t in this slot
        total_before = occ_before + prior[None, :]
        tb = jnp.take_along_axis(total_before, e[:, None], axis=1)[:, 0]
        adm = tb < cap
        within.append(adm)
        prior = prior + (oh * adm[:, None].astype(jnp.int32)).sum(axis=0)
    within = jnp.stack(within, axis=1)  # [T, K] bool
    combine = topg * within.astype(topg.dtype)
    # Expert computation. Mathematically identical to the gather/scatter
    # dispatch: out[t] = sum_s combine[t,s] * MLP_{topi[t,s]}(x[t]), with
    # combine already zeroed for over-capacity slots.
    out = jnp.zeros((T, Dx), dtype=jnp.float32)
    for i in range(E):
        h = jax.nn.gelu(xf @ W1[i].T + b1[i], approximate=False)
        y = h @ W2[i].T + b2[i]
        w = (combine * (topi == i).astype(combine.dtype)).sum(axis=1)
        out = out + w[:, None] * y
    return out.reshape(Bx, Sx, Dx)

if __name__ == "__main__":
    import jax
    _d = setup_inputs()
    print(jax.jit(kernel)(*tuple(_d.values())))

</pallas_src>

<mosaic_0001>
#map = affine_map<(d0, d1) -> (0)>
#map1 = affine_map<(d0, d1) -> (0, 0)>
module attributes {stable_mosaic.version = 14 : i64} {
  func.func @k(%arg0: i32, %arg1: i32, %arg2: memref<2048xi32, #tpu.memory_space<hbm>>, %arg3: memref<2048xi32, #tpu.memory_space<hbm>>, %arg4: memref<2048xf32, #tpu.memory_space<hbm>>, %arg5: memref<2048xf32, #tpu.memory_space<hbm>>, %arg6: memref<4352x768xf32, #tpu.memory_space<hbm>>, %arg7: memref<2048x768xf32, #tpu.memory_space<hbm>>, %arg8: memref<64xi32, #tpu.memory_space<vmem>>, %arg9: memref<64xi32, #tpu.memory_space<vmem>>, %arg10: memref<64x768xf32, #tpu.memory_space<vmem>>, %arg11: memref<64x768xf32, #tpu.memory_space<vmem>>, %arg12: memref<64xf32, #tpu.memory_space<vmem>>, %arg13: memref<64xf32, #tpu.memory_space<vmem>>, %arg14: memref<!tpu.dma_semaphore, #tpu.memory_space<semaphore_mem>>) attributes {dimension_semantics = [#tpu.dimension_semantics<core_parallel>, #tpu.dimension_semantics<subcore_parallel>], iteration_bounds = array<i64: 2, 16>, scalar_prefetch = 0 : i64, scratch_operands = 7 : i64, tpu.core_type = #tpu.core_type<sc_vector_subcore>, window_params = [{transform_indices = #map}, {transform_indices = #map}, {transform_indices = #map}, {transform_indices = #map}, {transform_indices = #map1}, {transform_indices = #map1}]} {
    %mul3A = arith.constant 2 : i32
    %mul3A_0 = arith.muli %arg1, %mul3A : i32
    %add3A = arith.addi %mul3A_0, %arg0 : i32
    %mul3A_1 = arith.constant 64 : i32
    %mul3A_2 = arith.muli %add3A, %mul3A_1 : i32
    "tpu.region"() ({
      %run_scoped3A = tpu.sem_alloc : memref<!tpu.dma_semaphore, #tpu.memory_space<semaphore_mem>>
      %dma_start3A_18 = tpu.memref_slice %arg2[%mul3A_2] : memref<2048xi32, #tpu.memory_space<hbm>> -> memref<64xi32, #tpu.memory_space<hbm>>
      %dma_start3A_19 = tpu.memref_slice %arg2[%mul3A_2] : memref<2048xi32, #tpu.memory_space<hbm>> -> memref<64xi32, #tpu.memory_space<hbm>>
      tpu.enqueue_dma source(%dma_start3A_19 : memref<64xi32, #tpu.memory_space<hbm>>) target(%arg8 : memref<64xi32, #tpu.memory_space<vmem>>) target_semaphore(%run_scoped3A : memref<!tpu.dma_semaphore, #tpu.memory_space<semaphore_mem>>)
      %dma_wait3A_20 = tpu.memref_slice %arg2[%mul3A_2] : memref<2048xi32, #tpu.memory_space<hbm>> -> memref<64xi32, #tpu.memory_space<hbm>>
      %dma_wait3A_21 = tpu.memref_slice %arg2[%mul3A_2] : memref<2048xi32, #tpu.memory_space<hbm>> -> memref<64xi32, #tpu.memory_space<hbm>>
      tpu.wait_dma2 semaphore(%run_scoped3A : memref<!tpu.dma_semaphore, #tpu.memory_space<semaphore_mem>>) src(%dma_wait3A_21 : memref<64xi32, #tpu.memory_space<hbm>>) dst(%arg8 : memref<64xi32, #tpu.memory_space<vmem>>)
      tpu.yield
    }) : () -> ()
    "tpu.region"() ({
      %run_scoped3A = tpu.sem_alloc : memref<!tpu.dma_semaphore, #tpu.memory_space<semaphore_mem>>
      %dma_start3A_18 = tpu.memref_slice %arg3[%mul3A_2] : memref<2048xi32, #tpu.memory_space<hbm>> -> memref<64xi32, #tpu.memory_space<hbm>>
      %dma_start3A_19 = tpu.memref_slice %arg3[%mul3A_2] : memref<2048xi32, #tpu.memory_space<hbm>> -> memref<64xi32, #tpu.memory_space<hbm>>
      tpu.enqueue_dma source(%dma_start3A_19 : memref<64xi32, #tpu.memory_space<hbm>>) target(%arg9 : memref<64xi32, #tpu.memory_space<vmem>>) target_semaphore(%run_scoped3A : memref<!tpu.dma_semaphore, #tpu.memory_space<semaphore_mem>>)
      %dma_wait3A_20 = tpu.memref_slice %arg3[%mul3A_2] : memref<2048xi32, #tpu.memory_space<hbm>> -> memref<64xi32, #tpu.memory_space<hbm>>
      %dma_wait3A_21 = tpu.memref_slice %arg3[%mul3A_2] : memref<2048xi32, #tpu.memory_space<hbm>> -> memref<64xi32, #tpu.memory_space<hbm>>
      tpu.wait_dma2 semaphore(%run_scoped3A : memref<!tpu.dma_semaphore, #tpu.memory_space<semaphore_mem>>) src(%dma_wait3A_21 : memref<64xi32, #tpu.memory_space<hbm>>) dst(%arg9 : memref<64xi32, #tpu.memory_space<vmem>>)
      tpu.yield
    }) : () -> ()
    "tpu.region"() ({
      %run_scoped3A = tpu.sem_alloc : memref<!tpu.dma_semaphore, #tpu.memory_space<semaphore_mem>>
      %dma_start3A_18 = tpu.memref_slice %arg4[%mul3A_2] : memref<2048xf32, #tpu.memory_space<hbm>> -> memref<64xf32, #tpu.memory_space<hbm>>
      %dma_start3A_19 = tpu.memref_slice %arg4[%mul3A_2] : memref<2048xf32, #tpu.memory_space<hbm>> -> memref<64xf32, #tpu.memory_space<hbm>>
      tpu.enqueue_dma source(%dma_start3A_19 : memref<64xf32, #tpu.memory_space<hbm>>) target(%arg12 : memref<64xf32, #tpu.memory_space<vmem>>) target_semaphore(%run_scoped3A : memref<!tpu.dma_semaphore, #tpu.memory_space<semaphore_mem>>)
      %dma_wait3A_20 = tpu.memref_slice %arg4[%mul3A_2] : memref<2048xf32, #tpu.memory_space<hbm>> -> memref<64xf32, #tpu.memory_space<hbm>>
      %dma_wait3A_21 = tpu.memref_slice %arg4[%mul3A_2] : memref<2048xf32, #tpu.memory_space<hbm>> -> memref<64xf32, #tpu.memory_space<hbm>>
      tpu.wait_dma2 semaphore(%run_scoped3A : memref<!tpu.dma_semaphore, #tpu.memory_space<semaphore_mem>>) src(%dma_wait3A_21 : memref<64xf32, #tpu.memory_space<hbm>>) dst(%arg12 : memref<64xf32, #tpu.memory_space<vmem>>)
      tpu.yield
    }) : () -> ()
    "tpu.region"() ({
      %run_scoped3A = tpu.sem_alloc : memref<!tpu.dma_semaphore, #tpu.memory_space<semaphore_mem>>
      %dma_start3A_18 = tpu.memref_slice %arg5[%mul3A_2] : memref<2048xf32, #tpu.memory_space<hbm>> -> memref<64xf32, #tpu.memory_space<hbm>>
      %dma_start3A_19 = tpu.memref_slice %arg5[%mul3A_2] : memref<2048xf32, #tpu.memory_space<hbm>> -> memref<64xf32, #tpu.memory_space<hbm>>
      tpu.enqueue_dma source(%dma_start3A_19 : memref<64xf32, #tpu.memory_space<hbm>>) target(%arg13 : memref<64xf32, #tpu.memory_space<vmem>>) target_semaphore(%run_scoped3A : memref<!tpu.dma_semaphore, #tpu.memory_space<semaphore_mem>>)
      %dma_wait3A_20 = tpu.memref_slice %arg5[%mul3A_2] : memref<2048xf32, #tpu.memory_space<hbm>> -> memref<64xf32, #tpu.memory_space<hbm>>
      %dma_wait3A_21 = tpu.memref_slice %arg5[%mul3A_2] : memref<2048xf32, #tpu.memory_space<hbm>> -> memref<64xf32, #tpu.memory_space<hbm>>
      tpu.wait_dma2 semaphore(%run_scoped3A : memref<!tpu.dma_semaphore, #tpu.memory_space<semaphore_mem>>) src(%dma_wait3A_21 : memref<64xf32, #tpu.memory_space<hbm>>) dst(%arg13 : memref<64xf32, #tpu.memory_space<vmem>>)
      tpu.yield
    }) : () -> ()
    %dma_start3A = arith.constant 0 : i32
    %dma_start3A_3 = arith.constant 0 : i32
    %dma_start3A_4 = tpu.memref_slice %arg6[%dma_start3A, %dma_start3A_3] : memref<4352x768xf32, #tpu.memory_space<hbm>> -> memref<4352x768xf32, #tpu.memory_space<hbm>>
    tpu.enqueue_indirect_dma source(%dma_start3A_4 : memref<4352x768xf32, #tpu.memory_space<hbm>>) target(%arg10 : memref<64x768xf32, #tpu.memory_space<vmem>>) offsets(%arg8 : memref<64xi32, #tpu.memory_space<vmem>>) semaphore(%arg14 : memref<!tpu.dma_semaphore, #tpu.memory_space<semaphore_mem>>)
    %dma_wait3A = arith.constant 0 : i32
    %dma_wait3A_5 = arith.constant 0 : i32
    %dma_wait3A_6 = tpu.memref_slice %arg6[%dma_wait3A, %dma_wait3A_5] : memref<4352x768xf32, #tpu.memory_space<hbm>> -> memref<4352x768xf32, #tpu.memory_space<hbm>>
    tpu.wait_indirect_dma semaphore(%arg14 : memref<!tpu.dma_semaphore, #tpu.memory_space<semaphore_mem>>) src(%dma_wait3A_6 : memref<4352x768xf32, #tpu.memory_space<hbm>>) dst(%arg10 : memref<64x768xf32, #tpu.memory_space<vmem>>)
    %dma_start3A_7 = arith.constant 0 : i32
    %dma_start3A_8 = arith.constant 0 : i32
    %dma_start3A_9 = tpu.memref_slice %arg6[%dma_start3A_7, %dma_start3A_8] : memref<4352x768xf32, #tpu.memory_space<hbm>> -> memref<4352x768xf32, #tpu.memory_space<hbm>>
    tpu.enqueue_indirect_dma source(%dma_start3A_9 : memref<4352x768xf32, #tpu.memory_space<hbm>>) target(%arg11 : memref<64x768xf32, #tpu.memory_space<vmem>>) offsets(%arg9 : memref<64xi32, #tpu.memory_space<vmem>>) semaphore(%arg14 : memref<!tpu.dma_semaphore, #tpu.memory_space<semaphore_mem>>)
    %dma_wait3A_10 = arith.constant 0 : i32
    %dma_wait3A_11 = arith.constant 0 : i32
    %dma_wait3A_12 = tpu.memref_slice %arg6[%dma_wait3A_10, %dma_wait3A_11] : memref<4352x768xf32, #tpu.memory_space<hbm>> -> memref<4352x768xf32, #tpu.memory_space<hbm>>
    tpu.wait_indirect_dma semaphore(%arg14 : memref<!tpu.dma_semaphore, #tpu.memory_space<semaphore_mem>>) src(%dma_wait3A_12 : memref<4352x768xf32, #tpu.memory_space<hbm>>) dst(%arg11 : memref<64x768xf32, #tpu.memory_space<vmem>>)
    %scan3A = arith.constant 0 : i32
    %scan3A_13 = arith.constant 0 : i32
    %scan3A_14 = arith.constant 64 : i32
    %scan3A_15 = arith.addi %scan3A_13, %scan3A_14 : i32
    %scan3A_16 = arith.constant 1 : i32
    scf.for %scan3A_18 = %scan3A_13 to %scan3A_15 step %scan3A_16  : i32 {
      %broadcast_in_dim3A = vector.broadcast %scan3A_18 : i32 to vector<16xi32>
      %gather3A = tpu.vector_load_idx %arg12[%broadcast_in_dim3A] : memref<64xf32, #tpu.memory_space<vmem>>[vector<16xi32>], vector<16xf32>,
      %gather3A_19 = tpu.vector_load_idx %arg13[%broadcast_in_dim3A] : memref<64xf32, #tpu.memory_space<vmem>>[vector<16xi32>], vector<16xf32>,
      %get3A = arith.index_cast %scan3A_18 : i32 to index
      %get3A_20 = arith.constant 0 : index
      %get3A_21 = tpu.vector_load %arg10[%get3A, %get3A_20] {strides = array<i32>} : memref<64x768xf32, #tpu.memory_space<vmem>>, vector<16xf32>,
      %mul3A_22 = arith.mulf %gather3A, %get3A_21 : vector<16xf32>
      %get3A_23 = arith.index_cast %scan3A_18 : i32 to index
      %get3A_24 = arith.constant 0 : index
      %get3A_25 = tpu.vector_load %arg11[%get3A_23, %get3A_24] {strides = array<i32>} : memref<64x768xf32, #tpu.memory_space<vmem>>, vector<16xf32>,
      %mul3A_26 = arith.mulf %gather3A_19, %get3A_25 : vector<16xf32>
      %add3A_27 = arith.addf %mul3A_22, %mul3A_26 : vector<16xf32>
      %swap3A = arith.index_cast %scan3A_18 : i32 to index
      %swap3A_28 = arith.constant 0 : index
      %swap3A_29 = tpu.vector_load %arg10[%swap3A, %swap3A_28] {strides = array<i32>} : memref<64x768xf32, #tpu.memory_space<vmem>>, vector<16xf32>,
      tpu.vector_store %arg10[%swap3A, %swap3A_28], %add3A_27 {strides = array<i32>} : memref<64x768xf32, #tpu.memory_space<vmem>>, vector<16xf32>,
      %get3A_30 = arith.index_cast %scan3A_18 : i32 to index
      %get3A_31 = arith.constant 16 : index
      %get3A_32 = tpu.vector_load %arg10[%get3A_30, %get3A_31] {strides = array<i32>} : memref<64x768xf32, #tpu.memory_space<vmem>>, vector<16xf32>,
      %mul3A_33 = arith.mulf %gather3A, %get3A_32 : vector<16xf32>
      %get3A_34 = arith.index_cast %scan3A_18 : i32 to index
      %get3A_35 = arith.constant 16 : index
      %get3A_36 = tpu.vector_load %arg11[%get3A_34, %get3A_35] {strides = array<i32>} : memref<64x768xf32, #tpu.memory_space<vmem>>, vector<16xf32>,
      %mul3A_37 = arith.mulf %gather3A_19, %get3A_36 : vector<16xf32>
      %add3A_38 = arith.addf %mul3A_33, %mul3A_37 : vector<16xf32>
      %swap3A_39 = arith.index_cast %scan3A_18 : i32 to index
      %swap3A_40 = arith.constant 16 : index
      %swap3A_41 = tpu.vector_load %arg10[%swap3A_39, %swap3A_40] {strides = array<i32>} : memref<64x768xf32, #tpu.memory_space<vmem>>, vector<16xf32>,
      tpu.vector_store %arg10[%swap3A_39, %swap3A_40], %add3A_38 {strides = array<i32>} : memref<64x768xf32, #tpu.memory_space<vmem>>, vector<16xf32>,
      %get3A_42 = arith.index_cast %scan3A_18 : i32 to index
      %get3A_43 = arith.constant 32 : index
      %get3A_44 = tpu.vector_load %arg10[%get3A_42, %get3A_43] {strides = array<i32>} : memref<64x768xf32, #tpu.memory_space<vmem>>, vector<16xf32>,
      %mul3A_45 = arith.mulf %gather3A, %get3A_44 : vector<16xf32>
      %get3A_46 = arith.index_cast %scan3A_18 : i32 to index
      %get3A_47 = arith.constant 32 : index
      %get3A_48 = tpu.vector_load %arg11[%get3A_46, %get3A_47] {strides = array<i32>} : memref<64x768xf32, #tpu.memory_space<vmem>>, vector<16xf32>,
      %mul3A_49 = arith.mulf %gather3A_19, %get3A_48 : vector<16xf32>
      %add3A_50 = arith.addf %mul3A_45, %mul3A_49 : vector<16xf32>
      %swap3A_51 = arith.index_cast %scan3A_18 : i32 to index
      %swap3A_52 = arith.constant 32 : index
      %swap3A_53 = tpu.vector_load %arg10[%swap3A_51, %swap3A_52] {strides = array<i32>} : memref<64x768xf32, #tpu.memory_space<vmem>>, vector<16xf32>,
      tpu.vector_store %arg10[%swap3A_51, %swap3A_52], %add3A_50 {strides = array<i32>} : memref<64x768xf32, #tpu.memory_space<vmem>>, vector<16xf32>,
      %get3A_54 = arith.index_cast %scan3A_18 : i32 to index
      %get3A_55 = arith.constant 48 : index
      %get3A_56 = tpu.vector_load %arg10[%get3A_54, %get3A_55] {strides = array<i32>} : memref<64x768xf32, #tpu.memory_space<vmem>>, vector<16xf32>,
      %mul3A_57 = arith.mulf %gather3A, %get3A_56 : vector<16xf32>
      %get3A_58 = arith.index_cast %scan3A_18 : i32 to index
      %get3A_59 = arith.constant 48 : index
      %get3A_60 = tpu.vector_load %arg11[%get3A_58, %get3A_59] {strides = array<i32>} : memref<64x768xf32, #tpu.memory_space<vmem>>, vector<16xf32>,
      %mul3A_61 = arith.mulf %gather3A_19, %get3A_60 : vector<16xf32>
      %add3A_62 = arith.addf %mul3A_57, %mul3A_61 : vector<16xf32>
      %swap3A_63 = arith.index_cast %scan3A_18 : i32 to index
      %swap3A_64 = arith.constant 48 : index
      %swap3A_65 = tpu.vector_load %arg10[%swap3A_63, %swap3A_64] {strides = array<i32>} : memref<64x768xf32, #tpu.memory_space<vmem>>, vector<16xf32>,
      tpu.vector_store %arg10[%swap3A_63, %swap3A_64], %add3A_62 {strides = array<i32>} : memref<64x768xf32, #tpu.memory_space<vmem>>, vector<16xf32>,
      %get3A_66 = arith.index_cast %scan3A_18 : i32 to index
      %get3A_67 = arith.constant 64 : index
      %get3A_68 = tpu.vector_load %arg10[%get3A_66, %get3A_67] {strides = array<i32>} : memref<64x768xf32, #tpu.memory_space<vmem>>, vector<16xf32>,
      %mul3A_69 = arith.mulf %gather3A, %get3A_68 : vector<16xf32>
      %get3A_70 = arith.index_cast %scan3A_18 : i32 to index
      %get3A_71 = arith.constant 64 : index
      %get3A_72 = tpu.vector_load %arg11[%get3A_70, %get3A_71] {strides = array<i32>} : memref<64x768xf32, #tpu.memory_space<vmem>>, vector<16xf32>,
      %mul3A_73 = arith.mulf %gather3A_19, %get3A_72 : vector<16xf32>
      %add3A_74 = arith.addf %mul3A_69, %mul3A_73 : vector<16xf32>
      %swap3A_75 = arith.index_cast %scan3A_18 : i32 to index
      %swap3A_76 = arith.constant 64 : index
      %swap3A_77 = tpu.vector_load %arg10[%swap3A_75, %swap3A_76] {strides = array<i32>} : memref<64x768xf32, #tpu.memory_space<vmem>>, vector<16xf32>,
      tpu.vector_store %arg10[%swap3A_75, %swap3A_76], %add3A_74 {strides = array<i32>} : memref<64x768xf32, #tpu.memory_space<vmem>>, vector<16xf32>,
      %get3A_78 = arith.index_cast %scan3A_18 : i32 to index
      %get3A_79 = arith.constant 80 : index
      %get3A_80 = tpu.vector_load %arg10[%get3A_78, %get3A_79] {strides = array<i32>} : memref<64x768xf32, #tpu.memory_space<vmem>>, vector<16xf32>,
      %mul3A_81 = arith.mulf %gather3A, %get3A_80 : vector<16xf32>
      %get3A_82 = arith.index_cast %scan3A_18 : i32 to index
      %get3A_83 = arith.constant 80 : index
      %get3A_84 = tpu.vector_load %arg11[%get3A_82, %get3A_83] {strides = array<i32>} : memref<64x768xf32, #tpu.memory_space<vmem>>, vector<16xf32>,
      %mul3A_85 = arith.mulf %gather3A_19, %get3A_84 : vector<16xf32>
      %add3A_86 = arith.addf %mul3A_81, %mul3A_85 : vector<16xf32>
      %swap3A_87 = arith.index_cast %scan3A_18 : i32 to index
      %swap3A_88 = arith.constant 80 : index
      %swap3A_89 = tpu.vector_load %arg10[%swap3A_87, %swap3A_88] {strides = array<i32>} : memref<64x768xf32, #tpu.memory_space<vmem>>, vector<16xf32>,
      tpu.vector_store %arg10[%swap3A_87, %swap3A_88], %add3A_86 {strides = array<i32>} : memref<64x768xf32, #tpu.memory_space<vmem>>, vector<16xf32>,
      %get3A_90 = arith.index_cast %scan3A_18 : i32 to index
      %get3A_91 = arith.constant 96 : index
      %get3A_92 = tpu.vector_load %arg10[%get3A_90, %get3A_91] {strides = array<i32>} : memref<64x768xf32, #tpu.memory_space<vmem>>, vector<16xf32>,
      %mul3A_93 = arith.mulf %gather3A, %get3A_92 : vector<16xf32>
      %get3A_94 = arith.index_cast %scan3A_18 : i32 to index
      %get3A_95 = arith.constant 96 : index
      %get3A_96 = tpu.vector_load %arg11[%get3A_94, %get3A_95] {strides = array<i32>} : memref<64x768xf32, #tpu.memory_space<vmem>>, vector<16xf32>,
      %mul3A_97 = arith.mulf %gather3A_19, %get3A_96 : vector<16xf32>
      %add3A_98 = arith.addf %mul3A_93, %mul3A_97 : vector<16xf32>
      %swap3A_99 = arith.index_cast %scan3A_18 : i32 to index
      %swap3A_100 = arith.constant 96 : index
      %swap3A_101 = tpu.vector_load %arg10[%swap3A_99, %swap3A_100] {strides = array<i32>} : memref<64x768xf32, #tpu.memory_space<vmem>>, vector<16xf32>,
      tpu.vector_store %arg10[%swap3A_99, %swap3A_100], %add3A_98 {strides = array<i32>} : memref<64x768xf32, #tpu.memory_space<vmem>>, vector<16xf32>,
      %get3A_102 = arith.index_cast %scan3A_18 : i32 to index
      %get3A_103 = arith.constant 112 : index
      %get3A_104 = tpu.vector_load %arg10[%get3A_102, %get3A_103] {strides = array<i32>} : memref<64x768xf32, #tpu.memory_space<vmem>>, vector<16xf32>,
      %mul3A_105 = arith.mulf %gather3A, %get3A_104 : vector<16xf32>
      %get3A_106 = arith.index_cast %scan3A_18 : i32 to index
      %get3A_107 = arith.constant 112 : index
      %get3A_108 = tpu.vector_load %arg11[%get3A_106, %get3A_107] {strides = array<i32>} : memref<64x768xf32, #tpu.memory_space<vmem>>, vector<16xf32>,
      %mul3A_109 = arith.mulf %gather3A_19, %get3A_108 : vector<16xf32>
      %add3A_110 = arith.addf %mul3A_105, %mul3A_109 : vector<16xf32>
      %swap3A_111 = arith.index_cast %scan3A_18 : i32 to index
      %swap3A_112 = arith.constant 112 : index
      %swap3A_113 = tpu.vector_load %arg10[%swap3A_111, %swap3A_112] {strides = array<i32>} : memref<64x768xf32, #tpu.memory_space<vmem>>, vector<16xf32>,
      tpu.vector_store %arg10[%swap3A_111, %swap3A_112], %add3A_110 {strides = array<i32>} : memref<64x768xf32, #tpu.memory_space<vmem>>, vector<16xf32>,
      %get3A_114 = arith.index_cast %scan3A_18 : i32 to index
      %get3A_115 = arith.constant 128 : index
      %get3A_116 = tpu.vector_load %arg10[%get3A_114, %get3A_115] {strides = array<i32>} : memref<64x768xf32, #tpu.memory_space<vmem>>, vector<16xf32>,
      %mul3A_117 = arith.mulf %gather3A, %get3A_116 : vector<16xf32>
      %get3A_118 = arith.index_cast %scan3A_18 : i32 to index
      %get3A_119 = arith.constant 128 : index
      %get3A_120 = tpu.vector_load %arg11[%get3A_118, %get3A_119] {strides = array<i32>} : memref<64x768xf32, #tpu.memory_space<vmem>>, vector<16xf32>,
      %mul3A_121 = arith.mulf %gather3A_19, %get3A_120 : vector<16xf32>
      %add3A_122 = arith.addf %mul3A_117, %mul3A_121 : vector<16xf32>
      %swap3A_123 = arith.index_cast %scan3A_18 : i32 to index
      %swap3A_124 = arith.constant 128 : index
      %swap3A_125 = tpu.vector_load %arg10[%swap3A_123, %swap3A_124] {strides = array<i32>} : memref<64x768xf32, #tpu.memory_space<vmem>>, vector<16xf32>,
      tpu.vector_store %arg10[%swap3A_123, %swap3A_124], %add3A_122 {strides = array<i32>} : memref<64x768xf32, #tpu.memory_space<vmem>>, vector<16xf32>,
      %get3A_126 = arith.index_cast %scan3A_18 : i32 to index
      %get3A_127 = arith.constant 144 : index
      %get3A_128 = tpu.vector_load %arg10[%get3A_126, %get3A_127] {strides = array<i32>} : memref<64x768xf32, #tpu.memory_space<vmem>>, vector<16xf32>,
      %mul3A_129 = arith.mulf %gather3A, %get3A_128 : vector<16xf32>
      %get3A_130 = arith.index_cast %scan3A_18 : i32 to index
      %get3A_131 = arith.constant 144 : index
      %get3A_132 = tpu.vector_load %arg11[%get3A_130, %get3A_131] {strides = array<i32>} : memref<64x768xf32, #tpu.memory_space<vmem>>, vector<16xf32>,
      %mul3A_133 = arith.mulf %gather3A_19, %get3A_132 : vector<16xf32>
      %add3A_134 = arith.addf %mul3A_129, %mul3A_133 : vector<16xf32>
      %swap3A_135 = arith.index_cast %scan3A_18 : i32 to index
      %swap3A_136 = arith.constant 144 : index
      %swap3A_137 = tpu.vector_load %arg10[%swap3A_135, %swap3A_136] {strides = array<i32>} : memref<64x768xf32, #tpu.memory_space<vmem>>, vector<16xf32>,
      tpu.vector_store %arg10[%swap3A_135, %swap3A_136], %add3A_134 {strides = array<i32>} : memref<64x768xf32, #tpu.memory_space<vmem>>, vector<16xf32>,
      %get3A_138 = arith.index_cast %scan3A_18 : i32 to index
      %get3A_139 = arith.constant 160 : index
      %get3A_140 = tpu.vector_load %arg10[%get3A_138, %get3A_139] {strides = array<i32>} : memref<64x768xf32, #tpu.memory_space<vmem>>, vector<16xf32>,
      %mul3A_141 = arith.mulf %gather3A, %get3A_140 : vector<16xf32>
      %get3A_142 = arith.index_cast %scan3A_18 : i32 to index
      %get3A_143 = arith.constant 160 : index
      %get3A_144 = tpu.vector_load %arg11[%get3A_142, %get3A_143] {strides = array<i32>} : memref<64x768xf32, #tpu.memory_space<vmem>>, vector<16xf32>,
      %mul3A_145 = arith.mulf %gather3A_19, %get3A_144 : vector<16xf32>
      %add3A_146 = arith.addf %mul3A_141, %mul3A_145 : vector<16xf32>
      %swap3A_147 = arith.index_cast %scan3A_18 : i32 to index
      %swap3A_148 = arith.constant 160 : index
      %swap3A_149 = tpu.vector_load %arg10[%swap3A_147, %swap3A_148] {strides = array<i32>} : memref<64x768xf32, #tpu.memory_space<vmem>>, vector<16xf32>,
      tpu.vector_store %arg10[%swap3A_147, %swap3A_148], %add3A_146 {strides = array<i32>} : memref<64x768xf32, #tpu.memory_space<vmem>>, vector<16xf32>,
      %get3A_150 = arith.index_cast %scan3A_18 : i32 to index
      %get3A_151 = arith.constant 176 : index
      %get3A_152 = tpu.vector_load %arg10[%get3A_150, %get3A_151] {strides = array<i32>} : memref<64x768xf32, #tpu.memory_space<vmem>>, vector<16xf32>,
      %mul3A_153 = arith.mulf %gather3A, %get3A_152 : vector<16xf32>
      %get3A_154 = arith.index_cast %scan3A_18 : i32 to index
      %get3A_155 = arith.constant 176 : index
      %get3A_156 = tpu.vector_load %arg11[%get3A_154, %get3A_155] {strides = array<i32>} : memref<64x768xf32, #tpu.memory_space<vmem>>, vector<16xf32>,
      %mul3A_157 = arith.mulf %gather3A_19, %get3A_156 : vector<16xf32>
      %add3A_158 = arith.addf %mul3A_153, %mul3A_157 : vector<16xf32>
      %swap3A_159 = arith.index_cast %scan3A_18 : i32 to index
      %swap3A_160 = arith.constant 176 : index
      %swap3A_161 = tpu.vector_load %arg10[%swap3A_159, %swap3A_160] {strides = array<i32>} : memref<64x768xf32, #tpu.memory_space<vmem>>, vector<16xf32>,
      tpu.vector_store %arg10[%swap3A_159, %swap3A_160], %add3A_158 {strides = array<i32>} : memref<64x768xf32, #tpu.memory_space<vmem>>, vector<16xf32>,
      %get3A_162 = arith.index_cast %scan3A_18 : i32 to index
      %get3A_163 = arith.constant 192 : index
      %get3A_164 = tpu.vector_load %arg10[%get3A_162, %get3A_163] {strides = array<i32>} : memref<64x768xf32, #tpu.memory_space<vmem>>, vector<16xf32>,
      %mul3A_165 = arith.mulf %gather3A, %get3A_164 : vector<16xf32>
      %get3A_166 = arith.index_cast %scan3A_18 : i32 to index
      %get3A_167 = arith.constant 192 : index
      %get3A_168 = tpu.vector_load %arg11[%get3A_166, %get3A_167] {strides = array<i32>} : memref<64x768xf32, #tpu.memory_space<vmem>>, vector<16xf32>,
      %mul3A_169 = arith.mulf %gather3A_19, %get3A_168 : vector<16xf32>
      %add3A_170 = arith.addf %mul3A_165, %mul3A_169 : vector<16xf32>
      %swap3A_171 = arith.index_cast %scan3A_18 : i32 to index
      %swap3A_172 = arith.constant 192 : index
      %swap3A_173 = tpu.vector_load %arg10[%swap3A_171, %swap3A_172] {strides = array<i32>} : memref<64x768xf32, #tpu.memory_space<vmem>>, vector<16xf32>,
      tpu.vector_store %arg10[%swap3A_171, %swap3A_172], %add3A_170 {strides = array<i32>} : memref<64x768xf32, #tpu.memory_space<vmem>>, vector<16xf32>,
      %get3A_174 = arith.index_cast %scan3A_18 : i32 to index
      %get3A_175 = arith.constant 208 : index
      %get3A_176 = tpu.vector_load %arg10[%get3A_174, %get3A_175] {strides = array<i32>} : memref<64x768xf32, #tpu.memory_space<vmem>>, vector<16xf32>,
      %mul3A_177 = arith.mulf %gather3A, %get3A_176 : vector<16xf32>
      %get3A_178 = arith.index_cast %scan3A_18 : i32 to index
      %get3A_179 = arith.constant 208 : index
      %get3A_180 = tpu.vector_load %arg11[%get3A_178, %get3A_179] {strides = array<i32>} : memref<64x768xf32, #tpu.memory_space<vmem>>, vector<16xf32>,
      %mul3A_181 = arith.mulf %gather3A_19, %get3A_180 : vector<16xf32>
      %add3A_182 = arith.addf %mul3A_177, %mul3A_181 : vector<16xf32>
      %swap3A_183 = arith.index_cast %scan3A_18 : i32 to index
      %swap3A_184 = arith.constant 208 : index
      %swap3A_185 = tpu.vector_load %arg10[%swap3A_183, %swap3A_184] {strides = array<i32>} : memref<64x768xf32, #tpu.memory_space<vmem>>, vector<16xf32>,
      tpu.vector_store %arg10[%swap3A_183, %swap3A_184], %add3A_182 {strides = array<i32>} : memref<64x768xf32, #tpu.memory_space<vmem>>, vector<16xf32>,
      %get3A_186 = arith.index_cast %scan3A_18 : i32 to index
      %get3A_187 = arith.constant 224 : index
      %get3A_188 = tpu.vector_load %arg10[%get3A_186, %get3A_187] {strides = array<i32>} : memref<64x768xf32, #tpu.memory_space<vmem>>, vector<16xf32>,
      %mul3A_189 = arith.mulf %gather3A, %get3A_188 : vector<16xf32>
      %get3A_190 = arith.index_cast %scan3A_18 : i32 to index
      %get3A_191 = arith.constant 224 : index
      %get3A_192 = tpu.vector_load %arg11[%get3A_190, %get3A_191] {strides = array<i32>} : memref<64x768xf32, #tpu.memory_space<vmem>>, vector<16xf32>,
      %mul3A_193 = arith.mulf %gather3A_19, %get3A_192 : vector<16xf32>
      %add3A_194 = arith.addf %mul3A_189, %mul3A_193 : vector<16xf32>
      %swap3A_195 = arith.index_cast %scan3A_18 : i32 to index
      %swap3A_196 = arith.constant 224 : index
      %swap3A_197 = tpu.vector_load %arg10[%swap3A_195, %swap3A_196] {strides = array<i32>} : memref<64x768xf32, #tpu.memory_space<vmem>>, vector<16xf32>,
      tpu.vector_store %arg10[%swap3A_195, %swap3A_196], %add3A_194 {strides = array<i32>} : memref<64x768xf32, #tpu.memory_space<vmem>>, vector<16xf32>,
      %get3A_198 = arith.index_cast %scan3A_18 : i32 to index
      %get3A_199 = arith.constant 240 : index
      %get3A_200 = tpu.vector_load %arg10[%get3A_198, %get3A_199] {strides = array<i32>} : memref<64x768xf32, #tpu.memory_space<vmem>>, vector<16xf32>,
      %mul3A_201 = arith.mulf %gather3A, %get3A_200 : vector<16xf32>
      %get3A_202 = arith.index_cast %scan3A_18 : i32 to index
      %get3A_203 = arith.constant 240 : index
      %get3A_204 = tpu.vector_load %arg11[%get3A_202, %get3A_203] {strides = array<i32>} : memref<64x768xf32, #tpu.memory_space<vmem>>, vector<16xf32>,
      %mul3A_205 = arith.mulf %gather3A_19, %get3A_204 : vector<16xf32>
      %add3A_206 = arith.addf %mul3A_201, %mul3A_205 : vector<16xf32>
      %swap3A_207 = arith.index_cast %scan3A_18 : i32 to index
      %swap3A_208 = arith.constant 240 : index
      %swap3A_209 = tpu.vector_load %arg10[%swap3A_207, %swap3A_208] {strides = array<i32>} : memref<64x768xf32, #tpu.memory_space<vmem>>, vector<16xf32>,
      tpu.vector_store %arg10[%swap3A_207, %swap3A_208], %add3A_206 {strides = array<i32>} : memref<64x768xf32, #tpu.memory_space<vmem>>, vector<16xf32>,
      %get3A_210 = arith.index_cast %scan3A_18 : i32 to index
      %get3A_211 = arith.constant 256 : index
      %get3A_212 = tpu.vector_load %arg10[%get3A_210, %get3A_211] {strides = array<i32>} : memref<64x768xf32, #tpu.memory_space<vmem>>, vector<16xf32>,
      %mul3A_213 = arith.mulf %gather3A, %get3A_212 : vector<16xf32>
      %get3A_214 = arith.index_cast %scan3A_18 : i32 to index
      %get3A_215 = arith.constant 256 : index
      %get3A_216 = tpu.vector_load %arg11[%get3A_214, %get3A_215] {strides = array<i32>} : memref<64x768xf32, #tpu.memory_space<vmem>>, vector<16xf32>,
      %mul3A_217 = arith.mulf %gather3A_19, %get3A_216 : vector<16xf32>
      %add3A_218 = arith.addf %mul3A_213, %mul3A_217 : vector<16xf32>
      %swap3A_219 = arith.index_cast %scan3A_18 : i32 to index
      %swap3A_220 = arith.constant 256 : index
      %swap3A_221 = tpu.vector_load %arg10[%swap3A_219, %swap3A_220] {strides = array<i32>} : memref<64x768xf32, #tpu.memory_space<vmem>>, vector<16xf32>,
      tpu.vector_store %arg10[%swap3A_219, %swap3A_220], %add3A_218 {strides = array<i32>} : memref<64x768xf32, #tpu.memory_space<vmem>>, vector<16xf32>,
      %get3A_222 = arith.index_cast %scan3A_18 : i32 to index
      %get3A_223 = arith.constant 272 : index
      %get3A_224 = tpu.vector_load %arg10[%get3A_222, %get3A_223] {strides = array<i32>} : memref<64x768xf32, #tpu.memory_space<vmem>>, vector<16xf32>,
      %mul3A_225 = arith.mulf %gather3A, %get3A_224 : vector<16xf32>
      %get3A_226 = arith.index_cast %scan3A_18 : i32 to index
      %get3A_227 = arith.constant 272 : index
      %get3A_228 = tpu.vector_load %arg11[%get3A_226, %get3A_227] {strides = array<i32>} : memref<64x768xf32, #tpu.memory_space<vmem>>, vector<16xf32>,
      %mul3A_229 = arith.mulf %gather3A_19, %get3A_228 : vector<16xf32>
      %add3A_230 = arith.addf %mul3A_225, %mul3A_229 : vector<16xf32>
      %swap3A_231 = arith.index_cast %scan3A_18 : i32 to index
      %swap3A_232 = arith.constant 272 : index
      %swap3A_233 = tpu.vector_load %arg10[%swap3A_231, %swap3A_232] {strides = array<i32>} : memref<64x768xf32, #tpu.memory_space<vmem>>, vector<16xf32>,
      tpu.vector_store %arg10[%swap3A_231, %swap3A_232], %add3A_230 {strides = array<i32>} : memref<64x768xf32, #tpu.memory_space<vmem>>, vector<16xf32>,
      %get3A_234 = arith.index_cast %scan3A_18 : i32 to index
      %get3A_235 = arith.constant 288 : index
      %get3A_236 = tpu.vector_load %arg10[%get3A_234, %get3A_235] {strides = array<i32>} : memref<64x768xf32, #tpu.memory_space<vmem>>, vector<16xf32>,
      %mul3A_237 = arith.mulf %gather3A, %get3A_236 : vector<16xf32>
      %get3A_238 = arith.index_cast %scan3A_18 : i32 to index
      %get3A_239 = arith.constant 288 : index
      %get3A_240 = tpu.vector_load %arg11[%get3A_238, %get3A_239] {strides = array<i32>} : memref<64x768xf32, #tpu.memory_space<vmem>>, vector<16xf32>,
      %mul3A_241 = arith.mulf %gather3A_19, %get3A_240 : vector<16xf32>
      %add3A_242 = arith.addf %mul3A_237, %mul3A_241 : vector<16xf32>
      %swap3A_243 = arith.index_cast %scan3A_18 : i32 to index
      %swap3A_244 = arith.constant 288 : index
      %swap3A_245 = tpu.vector_load %arg10[%swap3A_243, %swap3A_244] {strides = array<i32>} : memref<64x768xf32, #tpu.memory_space<vmem>>, vector<16xf32>,
      tpu.vector_store %arg10[%swap3A_243, %swap3A_244], %add3A_242 {strides = array<i32>} : memref<64x768xf32, #tpu.memory_space<vmem>>, vector<16xf32>,
      %get3A_246 = arith.index_cast %scan3A_18 : i32 to index
      %get3A_247 = arith.constant 304 : index
      %get3A_248 = tpu.vector_load %arg10[%get3A_246, %get3A_247] {strides = array<i32>} : memref<64x768xf32, #tpu.memory_space<vmem>>, vector<16xf32>,
      %mul3A_249 = arith.mulf %gather3A, %get3A_248 : vector<16xf32>
      %get3A_250 = arith.index_cast %scan3A_18 : i32 to index
      %get3A_251 = arith.constant 304 : index
      %get3A_252 = tpu.vector_load %arg11[%get3A_250, %get3A_251] {strides = array<i32>} : memref<64x768xf32, #tpu.memory_space<vmem>>, vector<16xf32>,
      %mul3A_253 = arith.mulf %gather3A_19, %get3A_252 : vector<16xf32>
      %add3A_254 = arith.addf %mul3A_249, %mul3A_253 : vector<16xf32>
      %swap3A_255 = arith.index_cast %scan3A_18 : i32 to index
      %swap3A_256 = arith.constant 304 : index
      %swap3A_257 = tpu.vector_load %arg10[%swap3A_255, %swap3A_256] {strides = array<i32>} : memref<64x768xf32, #tpu.memory_space<vmem>>, vector<16xf32>,
      tpu.vector_store %arg10[%swap3A_255, %swap3A_256], %add3A_254 {strides = array<i32>} : memref<64x768xf32, #tpu.memory_space<vmem>>, vector<16xf32>,
      %get3A_258 = arith.index_cast %scan3A_18 : i32 to index
      %get3A_259 = arith.constant 320 : index
      %get3A_260 = tpu.vector_load %arg10[%get3A_258, %get3A_259] {strides = array<i32>} : memref<64x768xf32, #tpu.memory_space<vmem>>, vector<16xf32>,
      %mul3A_261 = arith.mulf %gather3A, %get3A_260 : vector<16xf32>
      %get3A_262 = arith.index_cast %scan3A_18 : i32 to index
      %get3A_263 = arith.constant 320 : index
      %get3A_264 = tpu.vector_load %arg11[%get3A_262, %get3A_263] {strides = array<i32>} : memref<64x768xf32, #tpu.memory_space<vmem>>, vector<16xf32>,
      %mul3A_265 = arith.mulf %gather3A_19, %get3A_264 : vector<16xf32>
      %add3A_266 = arith.addf %mul3A_261, %mul3A_265 : vector<16xf32>
      %swap3A_267 = arith.index_cast %scan3A_18 : i32 to index
      %swap3A_268 = arith.constant 320 : index
      %swap3A_269 = tpu.vector_load %arg10[%swap3A_267, %swap3A_268] {strides = array<i32>} : memref<64x768xf32, #tpu.memory_space<vmem>>, vector<16xf32>,
      tpu.vector_store %arg10[%swap3A_267, %swap3A_268], %add3A_266 {strides = array<i32>} : memref<64x768xf32, #tpu.memory_space<vmem>>, vector<16xf32>,
      %get3A_270 = arith.index_cast %scan3A_18 : i32 to index
      %get3A_271 = arith.constant 336 : index
      %get3A_272 = tpu.vector_load %arg10[%get3A_270, %get3A_271] {strides = array<i32>} : memref<64x768xf32, #tpu.memory_space<vmem>>, vector<16xf32>,
      %mul3A_273 = arith.mulf %gather3A, %get3A_272 : vector<16xf32>
      %get3A_274 = arith.index_cast %scan3A_18 : i32 to index
      %get3A_275 = arith.constant 336 : index
      %get3A_276 = tpu.vector_load %arg11[%get3A_274, %get3A_275] {strides = array<i32>} : memref<64x768xf32, #tpu.memory_space<vmem>>, vector<16xf32>,
      %mul3A_277 = arith.mulf %gather3A_19, %get3A_276 : vector<16xf32>
      %add3A_278 = arith.addf %mul3A_273, %mul3A_277 : vector<16xf32>
      %swap3A_279 = arith.index_cast %scan3A_18 : i32 to index
      %swap3A_280 = arith.constant 336 : index
      %swap3A_281 = tpu.vector_load %arg10[%swap3A_279, %swap3A_280] {strides = array<i32>} : memref<64x768xf32, #tpu.memory_space<vmem>>, vector<16xf32>,
      tpu.vector_store %arg10[%swap3A_279, %swap3A_280], %add3A_278 {strides = array<i32>} : memref<64x768xf32, #tpu.memory_space<vmem>>, vector<16xf32>,
      %get3A_282 = arith.index_cast %scan3A_18 : i32 to index
      %get3A_283 = arith.constant 352 : index
      %get3A_284 = tpu.vector_load %arg10[%get3A_282, %get3A_283] {strides = array<i32>} : memref<64x768xf32, #tpu.memory_space<vmem>>, vector<16xf32>,
      %mul3A_285 = arith.mulf %gather3A, %get3A_284 : vector<16xf32>
      %get3A_286 = arith.index_cast %scan3A_18 : i32 to index
      %get3A_287 = arith.constant 352 : index
      %get3A_288 = tpu.vector_load %arg11[%get3A_286, %get3A_287] {strides = array<i32>} : memref<64x768xf32, #tpu.memory_space<vmem>>, vector<16xf32>,
      %mul3A_289 = arith.mulf %gather3A_19, %get3A_288 : vector<16xf32>
      %add3A_290 = arith.addf %mul3A_285, %mul3A_289 : vector<16xf32>
      %swap3A_291 = arith.index_cast %scan3A_18 : i32 to index
      %swap3A_292 = arith.constant 352 : index
      %swap3A_293 = tpu.vector_load %arg10[%swap3A_291, %swap3A_292] {strides = array<i32>} : memref<64x768xf32, #tpu.memory_space<vmem>>, vector<16xf32>,
      tpu.vector_store %arg10[%swap3A_291, %swap3A_292], %add3A_290 {strides = array<i32>} : memref<64x768xf32, #tpu.memory_space<vmem>>, vector<16xf32>,
      %get3A_294 = arith.index_cast %scan3A_18 : i32 to index
      %get3A_295 = arith.constant 368 : index
      %get3A_296 = tpu.vector_load %arg10[%get3A_294, %get3A_295] {strides = array<i32>} : memref<64x768xf32, #tpu.memory_space<vmem>>, vector<16xf32>,
      %mul3A_297 = arith.mulf %gather3A, %get3A_296 : vector<16xf32>
      %get3A_298 = arith.index_cast %scan3A_18 : i32 to index
      %get3A_299 = arith.constant 368 : index
      %get3A_300 = tpu.vector_load %arg11[%get3A_298, %get3A_299] {strides = array<i32>} : memref<64x768xf32, #tpu.memory_space<vmem>>, vector<16xf32>,
      %mul3A_301 = arith.mulf %gather3A_19, %get3A_300 : vector<16xf32>
      %add3A_302 = arith.addf %mul3A_297, %mul3A_301 : vector<16xf32>
      %swap3A_303 = arith.index_cast %scan3A_18 : i32 to index
      %swap3A_304 = arith.constant 368 : index
      %swap3A_305 = tpu.vector_load %arg10[%swap3A_303, %swap3A_304] {strides = array<i32>} : memref<64x768xf32, #tpu.memory_space<vmem>>, vector<16xf32>,
      tpu.vector_store %arg10[%swap3A_303, %swap3A_304], %add3A_302 {strides = array<i32>} : memref<64x768xf32, #tpu.memory_space<vmem>>, vector<16xf32>,
      %get3A_306 = arith.index_cast %scan3A_18 : i32 to index
      %get3A_307 = arith.constant 384 : index
      %get3A_308 = tpu.vector_load %arg10[%get3A_306, %get3A_307] {strides = array<i32>} : memref<64x768xf32, #tpu.memory_space<vmem>>, vector<16xf32>,
      %mul3A_309 = arith.mulf %gather3A, %get3A_308 : vector<16xf32>
      %get3A_310 = arith.index_cast %scan3A_18 : i32 to index
      %get3A_311 = arith.constant 384 : index
      %get3A_312 = tpu.vector_load %arg11[%get3A_310, %get3A_311] {strides = array<i32>} : memref<64x768xf32, #tpu.memory_space<vmem>>, vector<16xf32>,
      %mul3A_313 = arith.mulf %gather3A_19, %get3A_312 : vector<16xf32>
      %add3A_314 = arith.addf %mul3A_309, %mul3A_313 : vector<16xf32>
      %swap3A_315 = arith.index_cast %scan3A_18 : i32 to index
      %swap3A_316 = arith.constant 384 : index
      %swap3A_317 = tpu.vector_load %arg10[%swap3A_315, %swap3A_316] {strides = array<i32>} : memref<64x768xf32, #tpu.memory_space<vmem>>, vector<16xf32>,
      tpu.vector_store %arg10[%swap3A_315, %swap3A_316], %add3A_314 {strides = array<i32>} : memref<64x768xf32, #tpu.memory_space<vmem>>, vector<16xf32>,
      %get3A_318 = arith.index_cast %scan3A_18 : i32 to index
      %get3A_319 = arith.constant 400 : index
      %get3A_320 = tpu.vector_load %arg10[%get3A_318, %get3A_319] {strides = array<i32>} : memref<64x768xf32, #tpu.memory_space<vmem>>, vector<16xf32>,
      %mul3A_321 = arith.mulf %gather3A, %get3A_320 : vector<16xf32>
      %get3A_322 = arith.index_cast %scan3A_18 : i32 to index
      %get3A_323 = arith.constant 400 : index
      %get3A_324 = tpu.vector_load %arg11[%get3A_322, %get3A_323] {strides = array<i32>} : memref<64x768xf32, #tpu.memory_space<vmem>>, vector<16xf32>,
      %mul3A_325 = arith.mulf %gather3A_19, %get3A_324 : vector<16xf32>
      %add3A_326 = arith.addf %mul3A_321, %mul3A_325 : vector<16xf32>
      %swap3A_327 = arith.index_cast %scan3A_18 : i32 to index
      %swap3A_328 = arith.constant 400 : index
      %swap3A_329 = tpu.vector_load %arg10[%swap3A_327, %swap3A_328] {strides = array<i32>} : memref<64x768xf32, #tpu.memory_space<vmem>>, vector<16xf32>,
      tpu.vector_store %arg10[%swap3A_327, %swap3A_328], %add3A_326 {strides = array<i32>} : memref<64x768xf32, #tpu.memory_space<vmem>>, vector<16xf32>,
      %get3A_330 = arith.index_cast %scan3A_18 : i32 to index
      %get3A_331 = arith.constant 416 : index
      %get3A_332 = tpu.vector_load %arg10[%get3A_330, %get3A_331] {strides = array<i32>} : memref<64x768xf32, #tpu.memory_space<vmem>>, vector<16xf32>,
      %mul3A_333 = arith.mulf %gather3A, %get3A_332 : vector<16xf32>
      %get3A_334 = arith.index_cast %scan3A_18 : i32 to index
      %get3A_335 = arith.constant 416 : index
      %get3A_336 = tpu.vector_load %arg11[%get3A_334, %get3A_335] {strides = array<i32>} : memref<64x768xf32, #tpu.memory_space<vmem>>, vector<16xf32>,
      %mul3A_337 = arith.mulf %gather3A_19, %get3A_336 : vector<16xf32>
      %add3A_338 = arith.addf %mul3A_333, %mul3A_337 : vector<16xf32>
      %swap3A_339 = arith.index_cast %scan3A_18 : i32 to index
      %swap3A_340 = arith.constant 416 : index
      %swap3A_341 = tpu.vector_load %arg10[%swap3A_339, %swap3A_340] {strides = array<i32>} : memref<64x768xf32, #tpu.memory_space<vmem>>, vector<16xf32>,
      tpu.vector_store %arg10[%swap3A_339, %swap3A_340], %add3A_338 {strides = array<i32>} : memref<64x768xf32, #tpu.memory_space<vmem>>, vector<16xf32>,
      %get3A_342 = arith.index_cast %scan3A_18 : i32 to index
      %get3A_343 = arith.constant 432 : index
      %get3A_344 = tpu.vector_load %arg10[%get3A_342, %get3A_343] {strides = array<i32>} : memref<64x768xf32, #tpu.memory_space<vmem>>, vector<16xf32>,
      %mul3A_345 = arith.mulf %gather3A, %get3A_344 : vector<16xf32>
      %get3A_346 = arith.index_cast %scan3A_18 : i32 to index
      %get3A_347 = arith.constant 432 : index
      %get3A_348 = tpu.vector_load %arg11[%get3A_346, %get3A_347] {strides = array<i32>} : memref<64x768xf32, #tpu.memory_space<vmem>>, vector<16xf32>,
      %mul3A_349 = arith.mulf %gather3A_19, %get3A_348 : vector<16xf32>
      %add3A_350 = arith.addf %mul3A_345, %mul3A_349 : vector<16xf32>
      %swap3A_351 = arith.index_cast %scan3A_18 : i32 to index
      %swap3A_352 = arith.constant 432 : index
      %swap3A_353 = tpu.vector_load %arg10[%swap3A_351, %swap3A_352] {strides = array<i32>} : memref<64x768xf32, #tpu.memory_space<vmem>>, vector<16xf32>,
      tpu.vector_store %arg10[%swap3A_351, %swap3A_352], %add3A_350 {strides = array<i32>} : memref<64x768xf32, #tpu.memory_space<vmem>>, vector<16xf32>,
      %get3A_354 = arith.index_cast %scan3A_18 : i32 to index
      %get3A_355 = arith.constant 448 : index
      %get3A_356 = tpu.vector_load %arg10[%get3A_354, %get3A_355] {strides = array<i32>} : memref<64x768xf32, #tpu.memory_space<vmem>>, vector<16xf32>,
      %mul3A_357 = arith.mulf %gather3A, %get3A_356 : vector<16xf32>
      %get3A_358 = arith.index_cast %scan3A_18 : i32 to index
      %get3A_359 = arith.constant 448 : index
      %get3A_360 = tpu.vector_load %arg11[%get3A_358, %get3A_359] {strides = array<i32>} : memref<64x768xf32, #tpu.memory_space<vmem>>, vector<16xf32>,
      %mul3A_361 = arith.mulf %gather3A_19, %get3A_360 : vector<16xf32>
      %add3A_362 = arith.addf %mul3A_357, %mul3A_361 : vector<16xf32>
      %swap3A_363 = arith.index_cast %scan3A_18 : i32 to index
      %swap3A_364 = arith.constant 448 : index
      %swap3A_365 = tpu.vector_load %arg10[%swap3A_363, %swap3A_364] {strides = array<i32>} : memref<64x768xf32, #tpu.memory_space<vmem>>, vector<16xf32>,
      tpu.vector_store %arg10[%swap3A_363, %swap3A_364], %add3A_362 {strides = array<i32>} : memref<64x768xf32, #tpu.memory_space<vmem>>, vector<16xf32>,
      %get3A_366 = arith.index_cast %scan3A_18 : i32 to index
      %get3A_367 = arith.constant 464 : index
      %get3A_368 = tpu.vector_load %arg10[%get3A_366, %get3A_367] {strides = array<i32>} : memref<64x768xf32, #tpu.memory_space<vmem>>, vector<16xf32>,
      %mul3A_369 = arith.mulf %gather3A, %get3A_368 : vector<16xf32>
      %get3A_370 = arith.index_cast %scan3A_18 : i32 to index
      %get3A_371 = arith.constant 464 : index
      %get3A_372 = tpu.vector_load %arg11[%get3A_370, %get3A_371] {strides = array<i32>} : memref<64x768xf32, #tpu.memory_space<vmem>>, vector<16xf32>,
      %mul3A_373 = arith.mulf %gather3A_19, %get3A_372 : vector<16xf32>
      %add3A_374 = arith.addf %mul3A_369, %mul3A_373 : vector<16xf32>
      %swap3A_375 = arith.index_cast %scan3A_18 : i32 to index
      %swap3A_376 = arith.constant 464 : index
      %swap3A_377 = tpu.vector_load %arg10[%swap3A_375, %swap3A_376] {strides = array<i32>} : memref<64x768xf32, #tpu.memory_space<vmem>>, vector<16xf32>,
      tpu.vector_store %arg10[%swap3A_375, %swap3A_376], %add3A_374 {strides = array<i32>} : memref<64x768xf32, #tpu.memory_space<vmem>>, vector<16xf32>,
      %get3A_378 = arith.index_cast %scan3A_18 : i32 to index
      %get3A_379 = arith.constant 480 : index
      %get3A_380 = tpu.vector_load %arg10[%get3A_378, %get3A_379] {strides = array<i32>} : memref<64x768xf32, #tpu.memory_space<vmem>>, vector<16xf32>,
      %mul3A_381 = arith.mulf %gather3A, %get3A_380 : vector<16xf32>
      %get3A_382 = arith.index_cast %scan3A_18 : i32 to index
      %get3A_383 = arith.constant 480 : index
      %get3A_384 = tpu.vector_load %arg11[%get3A_382, %get3A_383] {strides = array<i32>} : memref<64x768xf32, #tpu.memory_space<vmem>>, vector<16xf32>,
      %mul3A_385 = arith.mulf %gather3A_19, %get3A_384 : vector<16xf32>
      %add3A_386 = arith.addf %mul3A_381, %mul3A_385 : vector<16xf32>
      %swap3A_387 = arith.index_cast %scan3A_18 : i32 to index
      %swap3A_388 = arith.constant 480 : index
      %swap3A_389 = tpu.vector_load %arg10[%swap3A_387, %swap3A_388] {strides = array<i32>} : memref<64x768xf32, #tpu.memory_space<vmem>>, vector<16xf32>,
      tpu.vector_store %arg10[%swap3A_387, %swap3A_388], %add3A_386 {strides = array<i32>} : memref<64x768xf32, #tpu.memory_space<vmem>>, vector<16xf32>,
      %get3A_390 = arith.index_cast %scan3A_18 : i32 to index
      %get3A_391 = arith.constant 496 : index
      %get3A_392 = tpu.vector_load %arg10[%get3A_390, %get3A_391] {strides = array<i32>} : memref<64x768xf32, #tpu.memory_space<vmem>>, vector<16xf32>,
      %mul3A_393 = arith.mulf %gather3A, %get3A_392 : vector<16xf32>
      %get3A_394 = arith.index_cast %scan3A_18 : i32 to index
      %get3A_395 = arith.constant 496 : index
      %get3A_396 = tpu.vector_load %arg11[%get3A_394, %get3A_395] {strides = array<i32>} : memref<64x768xf32, #tpu.memory_space<vmem>>, vector<16xf32>,
      %mul3A_397 = arith.mulf %gather3A_19, %get3A_396 : vector<16xf32>
      %add3A_398 = arith.addf %mul3A_393, %mul3A_397 : vector<16xf32>
      %swap3A_399 = arith.index_cast %scan3A_18 : i32 to index
      %swap3A_400 = arith.constant 496 : index
      %swap3A_401 = tpu.vector_load %arg10[%swap3A_399, %swap3A_400] {strides = array<i32>} : memref<64x768xf32, #tpu.memory_space<vmem>>, vector<16xf32>,
      tpu.vector_store %arg10[%swap3A_399, %swap3A_400], %add3A_398 {strides = array<i32>} : memref<64x768xf32, #tpu.memory_space<vmem>>, vector<16xf32>,
      %get3A_402 = arith.index_cast %scan3A_18 : i32 to index
      %get3A_403 = arith.constant 512 : index
      %get3A_404 = tpu.vector_load %arg10[%get3A_402, %get3A_403] {strides = array<i32>} : memref<64x768xf32, #tpu.memory_space<vmem>>, vector<16xf32>,
      %mul3A_405 = arith.mulf %gather3A, %get3A_404 : vector<16xf32>
      %get3A_406 = arith.index_cast %scan3A_18 : i32 to index
      %get3A_407 = arith.constant 512 : index
      %get3A_408 = tpu.vector_load %arg11[%get3A_406, %get3A_407] {strides = array<i32>} : memref<64x768xf32, #tpu.memory_space<vmem>>, vector<16xf32>,
      %mul3A_409 = arith.mulf %gather3A_19, %get3A_408 : vector<16xf32>
      %add3A_410 = arith.addf %mul3A_405, %mul3A_409 : vector<16xf32>
      %swap3A_411 = arith.index_cast %scan3A_18 : i32 to index
      %swap3A_412 = arith.constant 512 : index
      %swap3A_413 = tpu.vector_load %arg10[%swap3A_411, %swap3A_412] {strides = array<i32>} : memref<64x768xf32, #tpu.memory_space<vmem>>, vector<16xf32>,
      tpu.vector_store %arg10[%swap3A_411, %swap3A_412], %add3A_410 {strides = array<i32>} : memref<64x768xf32, #tpu.memory_space<vmem>>, vector<16xf32>,
      %get3A_414 = arith.index_cast %scan3A_18 : i32 to index
      %get3A_415 = arith.constant 528 : index
      %get3A_416 = tpu.vector_load %arg10[%get3A_414, %get3A_415] {strides = array<i32>} : memref<64x768xf32, #tpu.memory_space<vmem>>, vector<16xf32>,
      %mul3A_417 = arith.mulf %gather3A, %get3A_416 : vector<16xf32>
      %get3A_418 = arith.index_cast %scan3A_18 : i32 to index
      %get3A_419 = arith.constant 528 : index
      %get3A_420 = tpu.vector_load %arg11[%get3A_418, %get3A_419] {strides = array<i32>} : memref<64x768xf32, #tpu.memory_space<vmem>>, vector<16xf32>,
      %mul3A_421 = arith.mulf %gather3A_19, %get3A_420 : vector<16xf32>
      %add3A_422 = arith.addf %mul3A_417, %mul3A_421 : vector<16xf32>
      %swap3A_423 = arith.index_cast %scan3A_18 : i32 to index
      %swap3A_424 = arith.constant 528 : index
      %swap3A_425 = tpu.vector_load %arg10[%swap3A_423, %swap3A_424] {strides = array<i32>} : memref<64x768xf32, #tpu.memory_space<vmem>>, vector<16xf32>,
      tpu.vector_store %arg10[%swap3A_423, %swap3A_424], %add3A_422 {strides = array<i32>} : memref<64x768xf32, #tpu.memory_space<vmem>>, vector<16xf32>,
      %get3A_426 = arith.index_cast %scan3A_18 : i32 to index
      %get3A_427 = arith.constant 544 : index
      %get3A_428 = tpu.vector_load %arg10[%get3A_426, %get3A_427] {strides = array<i32>} : memref<64x768xf32, #tpu.memory_space<vmem>>, vector<16xf32>,
      %mul3A_429 = arith.mulf %gather3A, %get3A_428 : vector<16xf32>
      %get3A_430 = arith.index_cast %scan3A_18 : i32 to index
      %get3A_431 = arith.constant 544 : index
      %get3A_432 = tpu.vector_load %arg11[%get3A_430, %get3A_431] {strides = array<i32>} : memref<64x768xf32, #tpu.memory_space<vmem>>, vector<16xf32>,
      %mul3A_433 = arith.mulf %gather3A_19, %get3A_432 : vector<16xf32>
      %add3A_434 = arith.addf %mul3A_429, %mul3A_433 : vector<16xf32>
      %swap3A_435 = arith.index_cast %scan3A_18 : i32 to index
      %swap3A_436 = arith.constant 544 : index
      %swap3A_437 = tpu.vector_load %arg10[%swap3A_435, %swap3A_436] {strides = array<i32>} : memref<64x768xf32, #tpu.memory_space<vmem>>, vector<16xf32>,
      tpu.vector_store %arg10[%swap3A_435, %swap3A_436], %add3A_434 {strides = array<i32>} : memref<64x768xf32, #tpu.memory_space<vmem>>, vector<16xf32>,
      %get3A_438 = arith.index_cast %scan3A_18 : i32 to index
      %get3A_439 = arith.constant 560 : index
      %get3A_440 = tpu.vector_load %arg10[%get3A_438, %get3A_439] {strides = array<i32>} : memref<64x768xf32, #tpu.memory_space<vmem>>, vector<16xf32>,
      %mul3A_441 = arith.mulf %gather3A, %get3A_440 : vector<16xf32>
      %get3A_442 = arith.index_cast %scan3A_18 : i32 to index
      %get3A_443 = arith.constant 560 : index
      %get3A_444 = tpu.vector_load %arg11[%get3A_442, %get3A_443] {strides = array<i32>} : memref<64x768xf32, #tpu.memory_space<vmem>>, vector<16xf32>,
      %mul3A_445 = arith.mulf %gather3A_19, %get3A_444 : vector<16xf32>
      %add3A_446 = arith.addf %mul3A_441, %mul3A_445 : vector<16xf32>
      %swap3A_447 = arith.index_cast %scan3A_18 : i32 to index
      %swap3A_448 = arith.constant 560 : index
      %swap3A_449 = tpu.vector_load %arg10[%swap3A_447, %swap3A_448] {strides = array<i32>} : memref<64x768xf32, #tpu.memory_space<vmem>>, vector<16xf32>,
      tpu.vector_store %arg10[%swap3A_447, %swap3A_448], %add3A_446 {strides = array<i32>} : memref<64x768xf32, #tpu.memory_space<vmem>>, vector<16xf32>,
      %get3A_450 = arith.index_cast %scan3A_18 : i32 to index
      %get3A_451 = arith.constant 576 : index
      %get3A_452 = tpu.vector_load %arg10[%get3A_450, %get3A_451] {strides = array<i32>} : memref<64x768xf32, #tpu.memory_space<vmem>>, vector<16xf32>,
      %mul3A_453 = arith.mulf %gather3A, %get3A_452 : vector<16xf32>
      %get3A_454 = arith.index_cast %scan3A_18 : i32 to index
      %get3A_455 = arith.constant 576 : index
      %get3A_456 = tpu.vector_load %arg11[%get3A_454, %get3A_455] {strides = array<i32>} : memref<64x768xf32, #tpu.memory_space<vmem>>, vector<16xf32>,
      %mul3A_457 = arith.mulf %gather3A_19, %get3A_456 : vector<16xf32>
      %add3A_458 = arith.addf %mul3A_453, %mul3A_457 : vector<16xf32>
      %swap3A_459 = arith.index_cast %scan3A_18 : i32 to index
      %swap3A_460 = arith.constant 576 : index
      %swap3A_461 = tpu.vector_load %arg10[%swap3A_459, %swap3A_460] {strides = array<i32>} : memref<64x768xf32, #tpu.memory_space<vmem>>, vector<16xf32>,
      tpu.vector_store %arg10[%swap3A_459, %swap3A_460], %add3A_458 {strides = array<i32>} : memref<64x768xf32, #tpu.memory_space<vmem>>, vector<16xf32>,
      %get3A_462 = arith.index_cast %scan3A_18 : i32 to index
      %get3A_463 = arith.constant 592 : index
      %get3A_464 = tpu.vector_load %arg10[%get3A_462, %get3A_463] {strides = array<i32>} : memref<64x768xf32, #tpu.memory_space<vmem>>, vector<16xf32>,
      %mul3A_465 = arith.mulf %gather3A, %get3A_464 : vector<16xf32>
      %get3A_466 = arith.index_cast %scan3A_18 : i32 to index
      %get3A_467 = arith.constant 592 : index
      %get3A_468 = tpu.vector_load %arg11[%get3A_466, %get3A_467] {strides = array<i32>} : memref<64x768xf32, #tpu.memory_space<vmem>>, vector<16xf32>,
      %mul3A_469 = arith.mulf %gather3A_19, %get3A_468 : vector<16xf32>
      %add3A_470 = arith.addf %mul3A_465, %mul3A_469 : vector<16xf32>
      %swap3A_471 = arith.index_cast %scan3A_18 : i32 to index
      %swap3A_472 = arith.constant 592 : index
      %swap3A_473 = tpu.vector_load %arg10[%swap3A_471, %swap3A_472] {strides = array<i32>} : memref<64x768xf32, #tpu.memory_space<vmem>>, vector<16xf32>,
      tpu.vector_store %arg10[%swap3A_471, %swap3A_472], %add3A_470 {strides = array<i32>} : memref<64x768xf32, #tpu.memory_space<vmem>>, vector<16xf32>,
      %get3A_474 = arith.index_cast %scan3A_18 : i32 to index
      %get3A_475 = arith.constant 608 : index
      %get3A_476 = tpu.vector_load %arg10[%get3A_474, %get3A_475] {strides = array<i32>} : memref<64x768xf32, #tpu.memory_space<vmem>>, vector<16xf32>,
      %mul3A_477 = arith.mulf %gather3A, %get3A_476 : vector<16xf32>
      %get3A_478 = arith.index_cast %scan3A_18 : i32 to index
      %get3A_479 = arith.constant 608 : index
      %get3A_480 = tpu.vector_load %arg11[%get3A_478, %get3A_479] {strides = array<i32>} : memref<64x768xf32, #tpu.memory_space<vmem>>, vector<16xf32>,
      %mul3A_481 = arith.mulf %gather3A_19, %get3A_480 : vector<16xf32>
      %add3A_482 = arith.addf %mul3A_477, %mul3A_481 : vector<16xf32>
      %swap3A_483 = arith.index_cast %scan3A_18 : i32 to index
      %swap3A_484 = arith.constant 608 : index
      %swap3A_485 = tpu.vector_load %arg10[%swap3A_483, %swap3A_484] {strides = array<i32>} : memref<64x768xf32, #tpu.memory_space<vmem>>, vector<16xf32>,
      tpu.vector_store %arg10[%swap3A_483, %swap3A_484], %add3A_482 {strides = array<i32>} : memref<64x768xf32, #tpu.memory_space<vmem>>, vector<16xf32>,
      %get3A_486 = arith.index_cast %scan3A_18 : i32 to index
      %get3A_487 = arith.constant 624 : index
      %get3A_488 = tpu.vector_load %arg10[%get3A_486, %get3A_487] {strides = array<i32>} : memref<64x768xf32, #tpu.memory_space<vmem>>, vector<16xf32>,
      %mul3A_489 = arith.mulf %gather3A, %get3A_488 : vector<16xf32>
      %get3A_490 = arith.index_cast %scan3A_18 : i32 to index
      %get3A_491 = arith.constant 624 : index
      %get3A_492 = tpu.vector_load %arg11[%get3A_490, %get3A_491] {strides = array<i32>} : memref<64x768xf32, #tpu.memory_space<vmem>>, vector<16xf32>,
      %mul3A_493 = arith.mulf %gather3A_19, %get3A_492 : vector<16xf32>
      %add3A_494 = arith.addf %mul3A_489, %mul3A_493 : vector<16xf32>
      %swap3A_495 = arith.index_cast %scan3A_18 : i32 to index
      %swap3A_496 = arith.constant 624 : index
      %swap3A_497 = tpu.vector_load %arg10[%swap3A_495, %swap3A_496] {strides = array<i32>} : memref<64x768xf32, #tpu.memory_space<vmem>>, vector<16xf32>,
      tpu.vector_store %arg10[%swap3A_495, %swap3A_496], %add3A_494 {strides = array<i32>} : memref<64x768xf32, #tpu.memory_space<vmem>>, vector<16xf32>,
      %get3A_498 = arith.index_cast %scan3A_18 : i32 to index
      %get3A_499 = arith.constant 640 : index
      %get3A_500 = tpu.vector_load %arg10[%get3A_498, %get3A_499] {strides = array<i32>} : memref<64x768xf32, #tpu.memory_space<vmem>>, vector<16xf32>,
      %mul3A_501 = arith.mulf %gather3A, %get3A_500 : vector<16xf32>
      %get3A_502 = arith.index_cast %scan3A_18 : i32 to index
      %get3A_503 = arith.constant 640 : index
      %get3A_504 = tpu.vector_load %arg11[%get3A_502, %get3A_503] {strides = array<i32>} : memref<64x768xf32, #tpu.memory_space<vmem>>, vector<16xf32>,
      %mul3A_505 = arith.mulf %gather3A_19, %get3A_504 : vector<16xf32>
      %add3A_506 = arith.addf %mul3A_501, %mul3A_505 : vector<16xf32>
      %swap3A_507 = arith.index_cast %scan3A_18 : i32 to index
      %swap3A_508 = arith.constant 640 : index
      %swap3A_509 = tpu.vector_load %arg10[%swap3A_507, %swap3A_508] {strides = array<i32>} : memref<64x768xf32, #tpu.memory_space<vmem>>, vector<16xf32>,
      tpu.vector_store %arg10[%swap3A_507, %swap3A_508], %add3A_506 {strides = array<i32>} : memref<64x768xf32, #tpu.memory_space<vmem>>, vector<16xf32>,
      %get3A_510 = arith.index_cast %scan3A_18 : i32 to index
      %get3A_511 = arith.constant 656 : index
      %get3A_512 = tpu.vector_load %arg10[%get3A_510, %get3A_511] {strides = array<i32>} : memref<64x768xf32, #tpu.memory_space<vmem>>, vector<16xf32>,
      %mul3A_513 = arith.mulf %gather3A, %get3A_512 : vector<16xf32>
      %get3A_514 = arith.index_cast %scan3A_18 : i32 to index
      %get3A_515 = arith.constant 656 : index
      %get3A_516 = tpu.vector_load %arg11[%get3A_514, %get3A_515] {strides = array<i32>} : memref<64x768xf32, #tpu.memory_space<vmem>>, vector<16xf32>,
      %mul3A_517 = arith.mulf %gather3A_19, %get3A_516 : vector<16xf32>
      %add3A_518 = arith.addf %mul3A_513, %mul3A_517 : vector<16xf32>
      %swap3A_519 = arith.index_cast %scan3A_18 : i32 to index
      %swap3A_520 = arith.constant 656 : index
      %swap3A_521 = tpu.vector_load %arg10[%swap3A_519, %swap3A_520] {strides = array<i32>} : memref<64x768xf32, #tpu.memory_space<vmem>>, vector<16xf32>,
      tpu.vector_store %arg10[%swap3A_519, %swap3A_520], %add3A_518 {strides = array<i32>} : memref<64x768xf32, #tpu.memory_space<vmem>>, vector<16xf32>,
      %get3A_522 = arith.index_cast %scan3A_18 : i32 to index
      %get3A_523 = arith.constant 672 : index
      %get3A_524 = tpu.vector_load %arg10[%get3A_522, %get3A_523] {strides = array<i32>} : memref<64x768xf32, #tpu.memory_space<vmem>>, vector<16xf32>,
      %mul3A_525 = arith.mulf %gather3A, %get3A_524 : vector<16xf32>
      %get3A_526 = arith.index_cast %scan3A_18 : i32 to index
      %get3A_527 = arith.constant 672 : index
      %get3A_528 = tpu.vector_load %arg11[%get3A_526, %get3A_527] {strides = array<i32>} : memref<64x768xf32, #tpu.memory_space<vmem>>, vector<16xf32>,
      %mul3A_529 = arith.mulf %gather3A_19, %get3A_528 : vector<16xf32>
      %add3A_530 = arith.addf %mul3A_525, %mul3A_529 : vector<16xf32>
      %swap3A_531 = arith.index_cast %scan3A_18 : i32 to index
      %swap3A_532 = arith.constant 672 : index
      %swap3A_533 = tpu.vector_load %arg10[%swap3A_531, %swap3A_532] {strides = array<i32>} : memref<64x768xf32, #tpu.memory_space<vmem>>, vector<16xf32>,
      tpu.vector_store %arg10[%swap3A_531, %swap3A_532], %add3A_530 {strides = array<i32>} : memref<64x768xf32, #tpu.memory_space<vmem>>, vector<16xf32>,
      %get3A_534 = arith.index_cast %scan3A_18 : i32 to index
      %get3A_535 = arith.constant 688 : index
      %get3A_536 = tpu.vector_load %arg10[%get3A_534, %get3A_535] {strides = array<i32>} : memref<64x768xf32, #tpu.memory_space<vmem>>, vector<16xf32>,
      %mul3A_537 = arith.mulf %gather3A, %get3A_536 : vector<16xf32>
      %get3A_538 = arith.index_cast %scan3A_18 : i32 to index
      %get3A_539 = arith.constant 688 : index
      %get3A_540 = tpu.vector_load %arg11[%get3A_538, %get3A_539] {strides = array<i32>} : memref<64x768xf32, #tpu.memory_space<vmem>>, vector<16xf32>,
      %mul3A_541 = arith.mulf %gather3A_19, %get3A_540 : vector<16xf32>
      %add3A_542 = arith.addf %mul3A_537, %mul3A_541 : vector<16xf32>
      %swap3A_543 = arith.index_cast %scan3A_18 : i32 to index
      %swap3A_544 = arith.constant 688 : index
      %swap3A_545 = tpu.vector_load %arg10[%swap3A_543, %swap3A_544] {strides = array<i32>} : memref<64x768xf32, #tpu.memory_space<vmem>>, vector<16xf32>,
      tpu.vector_store %arg10[%swap3A_543, %swap3A_544], %add3A_542 {strides = array<i32>} : memref<64x768xf32, #tpu.memory_space<vmem>>, vector<16xf32>,
      %get3A_546 = arith.index_cast %scan3A_18 : i32 to index
      %get3A_547 = arith.constant 704 : index
      %get3A_548 = tpu.vector_load %arg10[%get3A_546, %get3A_547] {strides = array<i32>} : memref<64x768xf32, #tpu.memory_space<vmem>>, vector<16xf32>,
      %mul3A_549 = arith.mulf %gather3A, %get3A_548 : vector<16xf32>
      %get3A_550 = arith.index_cast %scan3A_18 : i32 to index
      %get3A_551 = arith.constant 704 : index
      %get3A_552 = tpu.vector_load %arg11[%get3A_550, %get3A_551] {strides = array<i32>} : memref<64x768xf32, #tpu.memory_space<vmem>>, vector<16xf32>,
      %mul3A_553 = arith.mulf %gather3A_19, %get3A_552 : vector<16xf32>
      %add3A_554 = arith.addf %mul3A_549, %mul3A_553 : vector<16xf32>
      %swap3A_555 = arith.index_cast %scan3A_18 : i32 to index
      %swap3A_556 = arith.constant 704 : index
      %swap3A_557 = tpu.vector_load %arg10[%swap3A_555, %swap3A_556] {strides = array<i32>} : memref<64x768xf32, #tpu.memory_space<vmem>>, vector<16xf32>,
      tpu.vector_store %arg10[%swap3A_555, %swap3A_556], %add3A_554 {strides = array<i32>} : memref<64x768xf32, #tpu.memory_space<vmem>>, vector<16xf32>,
      %get3A_558 = arith.index_cast %scan3A_18 : i32 to index
      %get3A_559 = arith.constant 720 : index
      %get3A_560 = tpu.vector_load %arg10[%get3A_558, %get3A_559] {strides = array<i32>} : memref<64x768xf32, #tpu.memory_space<vmem>>, vector<16xf32>,
      %mul3A_561 = arith.mulf %gather3A, %get3A_560 : vector<16xf32>
      %get3A_562 = arith.index_cast %scan3A_18 : i32 to index
      %get3A_563 = arith.constant 720 : index
      %get3A_564 = tpu.vector_load %arg11[%get3A_562, %get3A_563] {strides = array<i32>} : memref<64x768xf32, #tpu.memory_space<vmem>>, vector<16xf32>,
      %mul3A_565 = arith.mulf %gather3A_19, %get3A_564 : vector<16xf32>
      %add3A_566 = arith.addf %mul3A_561, %mul3A_565 : vector<16xf32>
      %swap3A_567 = arith.index_cast %scan3A_18 : i32 to index
      %swap3A_568 = arith.constant 720 : index
      %swap3A_569 = tpu.vector_load %arg10[%swap3A_567, %swap3A_568] {strides = array<i32>} : memref<64x768xf32, #tpu.memory_space<vmem>>, vector<16xf32>,
      tpu.vector_store %arg10[%swap3A_567, %swap3A_568], %add3A_566 {strides = array<i32>} : memref<64x768xf32, #tpu.memory_space<vmem>>, vector<16xf32>,
      %get3A_570 = arith.index_cast %scan3A_18 : i32 to index
      %get3A_571 = arith.constant 736 : index
      %get3A_572 = tpu.vector_load %arg10[%get3A_570, %get3A_571] {strides = array<i32>} : memref<64x768xf32, #tpu.memory_space<vmem>>, vector<16xf32>,
      %mul3A_573 = arith.mulf %gather3A, %get3A_572 : vector<16xf32>
      %get3A_574 = arith.index_cast %scan3A_18 : i32 to index
      %get3A_575 = arith.constant 736 : index
      %get3A_576 = tpu.vector_load %arg11[%get3A_574, %get3A_575] {strides = array<i32>} : memref<64x768xf32, #tpu.memory_space<vmem>>, vector<16xf32>,
      %mul3A_577 = arith.mulf %gather3A_19, %get3A_576 : vector<16xf32>
      %add3A_578 = arith.addf %mul3A_573, %mul3A_577 : vector<16xf32>
      %swap3A_579 = arith.index_cast %scan3A_18 : i32 to index
      %swap3A_580 = arith.constant 736 : index
      %swap3A_581 = tpu.vector_load %arg10[%swap3A_579, %swap3A_580] {strides = array<i32>} : memref<64x768xf32, #tpu.memory_space<vmem>>, vector<16xf32>,
      tpu.vector_store %arg10[%swap3A_579, %swap3A_580], %add3A_578 {strides = array<i32>} : memref<64x768xf32, #tpu.memory_space<vmem>>, vector<16xf32>,
      %get3A_582 = arith.index_cast %scan3A_18 : i32 to index
      %get3A_583 = arith.constant 752 : index
      %get3A_584 = tpu.vector_load %arg10[%get3A_582, %get3A_583] {strides = array<i32>} : memref<64x768xf32, #tpu.memory_space<vmem>>, vector<16xf32>,
      %mul3A_585 = arith.mulf %gather3A, %get3A_584 : vector<16xf32>
      %get3A_586 = arith.index_cast %scan3A_18 : i32 to index
      %get3A_587 = arith.constant 752 : index
      %get3A_588 = tpu.vector_load %arg11[%get3A_586, %get3A_587] {strides = array<i32>} : memref<64x768xf32, #tpu.memory_space<vmem>>, vector<16xf32>,
      %mul3A_589 = arith.mulf %gather3A_19, %get3A_588 : vector<16xf32>
      %add3A_590 = arith.addf %mul3A_585, %mul3A_589 : vector<16xf32>
      %swap3A_591 = arith.index_cast %scan3A_18 : i32 to index
      %swap3A_592 = arith.constant 752 : index
      %swap3A_593 = tpu.vector_load %arg10[%swap3A_591, %swap3A_592] {strides = array<i32>} : memref<64x768xf32, #tpu.memory_space<vmem>>, vector<16xf32>,
      tpu.vector_store %arg10[%swap3A_591, %swap3A_592], %add3A_590 {strides = array<i32>} : memref<64x768xf32, #tpu.memory_space<vmem>>, vector<16xf32>,
    }
    %scan3A_17 = arith.constant 64 : i32
    "tpu.region"() ({
      %run_scoped3A = tpu.sem_alloc : memref<!tpu.dma_semaphore, #tpu.memory_space<semaphore_mem>>
      %dma_start3A_18 = arith.constant 0 : i32
      %dma_start3A_19 = tpu.memref_slice %arg7[%mul3A_2, %dma_start3A_18] : memref<2048x768xf32, #tpu.memory_space<hbm>> -> memref<64x768xf32, #tpu.memory_space<hbm>>
      %dma_start3A_20 = arith.constant 0 : i32
      %dma_start3A_21 = tpu.memref_slice %arg7[%mul3A_2, %dma_start3A_20] : memref<2048x768xf32, #tpu.memory_space<hbm>> -> memref<64x768xf32, #tpu.memory_space<hbm>>
      tpu.enqueue_dma source(%arg10 : memref<64x768xf32, #tpu.memory_space<vmem>>) target(%dma_start3A_21 : memref<64x768xf32, #tpu.memory_space<hbm>>) target_semaphore(%run_scoped3A : memref<!tpu.dma_semaphore, #tpu.memory_space<semaphore_mem>>)
      %dma_wait3A_22 = arith.constant 0 : i32
      %dma_wait3A_23 = tpu.memref_slice %arg7[%mul3A_2, %dma_wait3A_22] : memref<2048x768xf32, #tpu.memory_space<hbm>> -> memref<64x768xf32, #tpu.memory_space<hbm>>
      %dma_wait3A_24 = arith.constant 0 : i32
      %dma_wait3A_25 = tpu.memref_slice %arg7[%mul3A_2, %dma_wait3A_24] : memref<2048x768xf32, #tpu.memory_space<hbm>> -> memref<64x768xf32, #tpu.memory_space<hbm>>
      tpu.wait_dma2 semaphore(%run_scoped3A : memref<!tpu.dma_semaphore, #tpu.memory_space<semaphore_mem>>) src(%arg10 : memref<64x768xf32, #tpu.memory_space<vmem>>) dst(%dma_wait3A_25 : memref<64x768xf32, #tpu.memory_space<hbm>>)
      tpu.yield
    }) : () -> ()
    return
  }
}

#map = affine_map<(d0, d1) -> (0)>
#map1 = affine_map<(d0, d1) -> (0, 0)>
module attributes {stable_mosaic.version = 14 : i64} {
  func.func @k(%arg0: i32, %arg1: i32, %arg2: memref<2048xi32, #tpu.memory_space<hbm>>, %arg3: memref<2048xi32, #tpu.memory_space<hbm>>, %arg4: memref<2048x768xf32, #tpu.memory_space<hbm>>, %arg5: memref<4352x768xf32, #tpu.memory_space<hbm>>, %arg6: memref<4368xi32, #tpu.memory_space<vmem>>, %arg7: memref<2048xi32, #tpu.memory_space<vmem>>, %arg8: memref<2048xi32, #tpu.memory_space<vmem>>, %arg9: memref<136x768xf32, #tpu.memory_space<vmem>>, %arg10: memref<!tpu.dma_semaphore, #tpu.memory_space<semaphore_mem>>) attributes {dimension_semantics = [#tpu.dimension_semantics<core_parallel>, #tpu.dimension_semantics<subcore_parallel>], iteration_bounds = array<i64: 2, 16>, scalar_prefetch = 0 : i64, scratch_operands = 5 : i64, tpu.core_type = #tpu.core_type<sc_vector_subcore>, window_params = [{transform_indices = #map}, {transform_indices = #map}, {transform_indices = #map1}, {transform_indices = #map1}]} {
    %mul3A = arith.constant 2 : i32
    %mul3A_0 = arith.muli %arg1, %mul3A : i32
    %add3A = arith.addi %mul3A_0, %arg0 : i32
    "tpu.region"() ({
      %run_scoped3A = tpu.sem_alloc : memref<!tpu.dma_semaphore, #tpu.memory_space<semaphore_mem>>
      tpu.enqueue_dma source(%arg2 : memref<2048xi32, #tpu.memory_space<hbm>>) target(%arg7 : memref<2048xi32, #tpu.memory_space<vmem>>) target_semaphore(%run_scoped3A : memref<!tpu.dma_semaphore, #tpu.memory_space<semaphore_mem>>)
      tpu.wait_dma2 semaphore(%run_scoped3A : memref<!tpu.dma_semaphore, #tpu.memory_space<semaphore_mem>>) src(%arg2 : memref<2048xi32, #tpu.memory_space<hbm>>) dst(%arg7 : memref<2048xi32, #tpu.memory_space<vmem>>)
      tpu.yield
    }) : () -> ()
    "tpu.region"() ({
      %run_scoped3A = tpu.sem_alloc : memref<!tpu.dma_semaphore, #tpu.memory_space<semaphore_mem>>
      tpu.enqueue_dma source(%arg3 : memref<2048xi32, #tpu.memory_space<hbm>>) target(%arg8 : memref<2048xi32, #tpu.memory_space<vmem>>) target_semaphore(%run_scoped3A : memref<!tpu.dma_semaphore, #tpu.memory_space<semaphore_mem>>)
      tpu.wait_dma2 semaphore(%run_scoped3A : memref<!tpu.dma_semaphore, #tpu.memory_space<semaphore_mem>>) src(%arg3 : memref<2048xi32, #tpu.memory_space<hbm>>) dst(%arg8 : memref<2048xi32, #tpu.memory_space<vmem>>)
      tpu.yield
    }) : () -> ()
    %scan3A = arith.constant 0 : i32
    %scan3A_1 = arith.constant 0 : i32
    %scan3A_2 = arith.constant 273 : i32
    %scan3A_3 = arith.addi %scan3A_1, %scan3A_2 : i32
    %scan3A_4 = arith.constant 1 : i32
    scf.for %scan3A_20 = %scan3A_1 to %scan3A_3 step %scan3A_4  : i32 {
      %broadcast_in_dim3A = arith.constant 0 : i32
      %broadcast_in_dim3A_21 = vector.broadcast %broadcast_in_dim3A : i32 to vector<16xi32>
      %mul3A_22 = arith.constant 16 : i32
      %mul3A_23 = arith.muli %scan3A_20, %mul3A_22 : i32
      %swap3A = arith.index_cast %mul3A_23 : i32 to index
      %swap3A_24 = tpu.vector_load %arg6[%swap3A] {strides = array<i32>} : memref<4368xi32, #tpu.memory_space<vmem>>, vector<16xi32>,
      tpu.vector_store %arg6[%swap3A], %broadcast_in_dim3A_21 {strides = array<i32>} : memref<4368xi32, #tpu.memory_space<vmem>>, vector<16xi32>,
    }
    %scan3A_5 = arith.constant 273 : i32
    %scan3A_6 = arith.constant 0 : i32
    %scan3A_7 = arith.constant 0 : i32
    %scan3A_8 = arith.constant 128 : i32
    %scan3A_9 = arith.addi %scan3A_7, %scan3A_8 : i32
    %scan3A_10 = arith.constant 1 : i32
    scf.for %scan3A_20 = %scan3A_7 to %scan3A_9 step %scan3A_10  : i32 {
      %mul3A_21 = arith.constant 16 : i32
      %mul3A_22 = arith.muli %scan3A_20, %mul3A_21 : i32
      %iota3A = tpu.iota {dimensions = array<i32: 0>} : vector<16xi32>
      %add3A_23 = vector.broadcast %mul3A_22 : i32 to vector<16xi32>
      %add3A_24 = arith.addi %add3A_23, %iota3A : vector<16xi32>
      %mul3A_25 = arith.constant 16 : i32
      %mul3A_26 = arith.muli %scan3A_20, %mul3A_25 : i32
      %get3A = arith.index_cast %mul3A_26 : i32 to index
      %get3A_27 = tpu.vector_load %arg7[%get3A] {strides = array<i32>} : memref<2048xi32, #tpu.memory_space<vmem>>, vector<16xi32>,
      tpu.vector_store_idx %arg6[%get3A_27], %add3A_24 : memref<4368xi32, #tpu.memory_space<vmem>>[vector<16xi32>], vector<16xi32>,
      %mul3A_28 = arith.constant 16 : i32
      %mul3A_29 = arith.muli %scan3A_20, %mul3A_28 : i32
      %get3A_30 = arith.index_cast %mul3A_29 : i32 to index
      %get3A_31 = tpu.vector_load %arg8[%get3A_30] {strides = array<i32>} : memref<2048xi32, #tpu.memory_space<vmem>>, vector<16xi32>,
      tpu.vector_store_idx %arg6[%get3A_31], %add3A_24 : memref<4368xi32, #tpu.memory_space<vmem>>[vector<16xi32>], vector<16xi32>,
    }
    %scan3A_11 = arith.constant 128 : i32
    %mul3A_12 = arith.constant 136 : i32
    %mul3A_13 = arith.muli %add3A, %mul3A_12 : i32
    %dma_start3A = tpu.memref_slice %arg6[%mul3A_13] : memref<4368xi32, #tpu.memory_space<vmem>> -> memref<136xi32, #tpu.memory_space<vmem>>
    %dma_start3A_14 = arith.constant 0 : i32
    %dma_start3A_15 = arith.constant 0 : i32
    %dma_start3A_16 = tpu.memref_slice %arg4[%dma_start3A_14, %dma_start3A_15] : memref<2048x768xf32, #tpu.memory_space<hbm>> -> memref<2048x768xf32, #tpu.memory_space<hbm>>
    tpu.enqueue_indirect_dma source(%dma_start3A_16 : memref<2048x768xf32, #tpu.memory_space<hbm>>) target(%arg9 : memref<136x768xf32, #tpu.memory_space<vmem>>) offsets(%dma_start3A : memref<136xi32, #tpu.memory_space<vmem>>) semaphore(%arg10 : memref<!tpu.dma_semaphore, #tpu.memory_space<semaphore_mem>>)
    %dma_wait3A = tpu.memref_slice %arg6[%mul3A_13] : memref<4368xi32, #tpu.memory_space<vmem>> -> memref<136xi32, #tpu.memory_space<vmem>>
    %dma_wait3A_17 = arith.constant 0 : i32
    %dma_wait3A_18 = arith.constant 0 : i32
    %dma_wait3A_19 = tpu.memref_slice %arg4[%dma_wait3A_17, %dma_wait3A_18] : memref<2048x768xf32, #tpu.memory_space<hbm>> -> memref<2048x768xf32, #tpu.memory_space<hbm>>
    tpu.wait_indirect_dma semaphore(%arg10 : memref<!tpu.dma_semaphore, #tpu.memory_space<semaphore_mem>>) src(%dma_wait3A_19 : memref<2048x768xf32, #tpu.memory_space<hbm>>) dst(%arg9 : memref<136x768xf32, #tpu.memory_space<vmem>>)
    "tpu.region"() ({
      %run_scoped3A = tpu.sem_alloc : memref<!tpu.dma_semaphore, #tpu.memory_space<semaphore_mem>>
      %dma_start3A_20 = arith.constant 0 : i32
      %dma_start3A_21 = tpu.memref_slice %arg5[%mul3A_13, %dma_start3A_20] : memref<4352x768xf32, #tpu.memory_space<hbm>> -> memref<136x768xf32, #tpu.memory_space<hbm>>
      %dma_start3A_22 = arith.constant 0 : i32
      %dma_start3A_23 = tpu.memref_slice %arg5[%mul3A_13, %dma_start3A_22] : memref<4352x768xf32, #tpu.memory_space<hbm>> -> memref<136x768xf32, #tpu.memory_space<hbm>>
      tpu.enqueue_dma source(%arg9 : memref<136x768xf32, #tpu.memory_space<vmem>>) target(%dma_start3A_23 : memref<136x768xf32, #tpu.memory_space<hbm>>) target_semaphore(%run_scoped3A : memref<!tpu.dma_semaphore, #tpu.memory_space<semaphore_mem>>)
      %dma_wait3A_24 = arith.constant 0 : i32
      %dma_wait3A_25 = tpu.memref_slice %arg5[%mul3A_13, %dma_wait3A_24] : memref<4352x768xf32, #tpu.memory_space<hbm>> -> memref<136x768xf32, #tpu.memory_space<hbm>>
      %dma_wait3A_26 = arith.constant 0 : i32
      %dma_wait3A_27 = tpu.memref_slice %arg5[%mul3A_13, %dma_wait3A_26] : memref<4352x768xf32, #tpu.memory_space<hbm>> -> memref<136x768xf32, #tpu.memory_space<hbm>>
      tpu.wait_dma2 semaphore(%run_scoped3A : memref<!tpu.dma_semaphore, #tpu.memory_space<semaphore_mem>>) src(%arg9 : memref<136x768xf32, #tpu.memory_space<vmem>>) dst(%dma_wait3A_27 : memref<136x768xf32, #tpu.memory_space<hbm>>)
      tpu.yield
    }) : () -> ()
    return
  }
}

module attributes {stable_mosaic.version = 14 : i64} {
  func.func @body(%arg0: memref<2048x768xf32, #tpu.memory_space<vmem>>, %arg1: memref<768x128xf32, #tpu.memory_space<vmem>>, %arg2: memref<2048x1xi32, #tpu.memory_space<vmem>>, %arg3: memref<2048x1xi32, #tpu.memory_space<vmem>>, %arg4: memref<2048x1xi32, #tpu.memory_space<vmem>>, %arg5: memref<2048x1xi32, #tpu.memory_space<vmem>>, %arg6: memref<2048x1xf32, #tpu.memory_space<vmem>>, %arg7: memref<2048x1xf32, #tpu.memory_space<vmem>>, %arg8: memref<2048x128xf32, #tpu.memory_space<vmem>>, %arg9: memref<2048x1xf32, #tpu.memory_space<vmem>>) attributes {dimension_semantics = [], scalar_prefetch = 0 : i64, scratch_operands = 2 : i64, tpu.core_type = #tpu.core_type<tc>} {
    %get3A = arith.constant 0 : index
    %get3A_0 = arith.constant 0 : index
    %get3A_1 = vector.load %arg0[%get3A, %get3A_0] : memref<2048x768xf32, #tpu.memory_space<vmem>>, vector<2048x768xf32>
    %get3A_2 = arith.constant 0 : index
    %get3A_3 = arith.constant 0 : index
    %get3A_4 = vector.load %arg1[%get3A_2, %get3A_3] : memref<768x128xf32, #tpu.memory_space<vmem>>, vector<768x128xf32>
    %dot_general3A = arith.constant dense<0.000000e+00> : vector<2048x128xf32>
    %dot_general3A_5 = tpu.matmul %get3A_1, %get3A_4, %dot_general3A {dimension_numbers = #tpu.dot_dimension_numbers<[1], [0], [0], [1], [0, 0, 1, 1], [], []>, transpose_lhs_hint = false} : vector<2048x768xf32>, vector<768x128xf32>, vector<2048x128xf32> -> vector<2048x128xf32>
    %iota3A = tpu.iota {dimensions = array<i32: 1>} : vector<2048x128xi32>
    %lt3A = arith.constant 8 : i32
    %lt3A_6 = vector.broadcast %lt3A : i32 to vector<2048x128xi32>
    %lt3A_7 = arith.cmpi slt, %iota3A, %lt3A_6 : vector<2048x128xi32>
    %jit3A = arith.constant -1.000000e+30 : f32
    %broadcast_in_dim3A = vector.broadcast %jit3A : f32 to vector<2048x128xf32>
    %select_n3A = arith.select %lt3A_7, %dot_general3A_5, %broadcast_in_dim3A : vector<2048x128xi1>, vector<2048x128xf32>
    %reduce_max3A = arith.constant dense<0xFF800000> : vector<2048xf32>
    %reduce_max3A_8 = vector.multi_reduction <maximumf>, %select_n3A, %reduce_max3A [1] : vector<2048x128xf32> to vector<2048xf32>
    %broadcast_in_dim3A_9 = vector.shape_cast %reduce_max3A_8 : vector<2048xf32> to vector<2048x1xf32>
    %sub3A = vector.broadcast %broadcast_in_dim3A_9 : vector<2048x1xf32> to vector<2048x128xf32>
    %sub3A_10 = arith.subf %select_n3A, %sub3A : vector<2048x128xf32>
    %exp3A = math.exp %sub3A_10 : vector<2048x128xf32>
    %jit3A_11 = arith.constant 0.000000e+00 : f32
    %broadcast_in_dim3A_12 = vector.broadcast %jit3A_11 : f32 to vector<2048x128xf32>
    %select_n3A_13 = arith.select %lt3A_7, %exp3A, %broadcast_in_dim3A_12 : vector<2048x128xi1>, vector<2048x128xf32>
    %reduce_sum3A = arith.constant dense<0.000000e+00> : vector<2048xf32>
    %reduce_sum3A_14 = vector.multi_reduction <add>, %select_n3A_13, %reduce_sum3A [1] : vector<2048x128xf32> to vector<2048xf32>
    %broadcast_in_dim3A_15 = vector.shape_cast %reduce_sum3A_14 : vector<2048xf32> to vector<2048x1xf32>
    %div3A = vector.broadcast %broadcast_in_dim3A_15 : vector<2048x1xf32> to vector<2048x128xf32>
    %div3A_16 = arith.divf %select_n3A_13, %div3A : vector<2048x128xf32>
    %reduce_max3A_17 = arith.constant dense<0xFF800000> : vector<2048xf32>
    %reduce_max3A_18 = vector.multi_reduction <maximumf>, %div3A_16, %reduce_max3A_17 [1] : vector<2048x128xf32> to vector<2048xf32>
    %broadcast_in_dim3A_19 = vector.shape_cast %reduce_max3A_18 : vector<2048xf32> to vector<2048x1xf32>
    %eq3A = vector.broadcast %broadcast_in_dim3A_19 : vector<2048x1xf32> to vector<2048x128xf32>
    %eq3A_20 = arith.cmpf oeq, %div3A_16, %eq3A : vector<2048x128xf32>
    %and3A = arith.andi %eq3A_20, %lt3A_7 : vector<2048x128xi1>
    %jit3A_21 = arith.constant 128 : i32
    %broadcast_in_dim3A_22 = vector.broadcast %jit3A_21 : i32 to vector<2048x128xi32>
    %select_n3A_23 = arith.select %and3A, %iota3A, %broadcast_in_dim3A_22 : vector<2048x128xi1>, vector<2048x128xi32>
    %reduce_min3A = arith.constant dense<2147483647> : vector<2048xi32>
    %reduce_min3A_24 = vector.multi_reduction <minsi>, %select_n3A_23, %reduce_min3A [1] : vector<2048x128xi32> to vector<2048xi32>
    %broadcast_in_dim3A_25 = vector.shape_cast %reduce_min3A_24 : vector<2048xi32> to vector<2048x1xi32>
    %eq3A_26 = vector.broadcast %broadcast_in_dim3A_25 : vector<2048x1xi32> to vector<2048x128xi32>
    %eq3A_27 = arith.cmpi eq, %iota3A, %eq3A_26 : vector<2048x128xi32>
    %jit3A_28 = arith.constant -1.000000e+00 : f32
    %broadcast_in_dim3A_29 = vector.broadcast %jit3A_28 : f32 to vector<2048x128xf32>
    %select_n3A_30 = arith.select %eq3A_27, %broadcast_in_dim3A_29, %div3A_16 : vector<2048x128xi1>, vector<2048x128xf32>
    %reduce_max3A_31 = arith.constant dense<0xFF800000> : vector<2048xf32>
    %reduce_max3A_32 = vector.multi_reduction <maximumf>, %select_n3A_30, %reduce_max3A_31 [1] : vector<2048x128xf32> to vector<2048xf32>
    %broadcast_in_dim3A_33 = vector.shape_cast %reduce_max3A_32 : vector<2048xf32> to vector<2048x1xf32>
    %eq3A_34 = vector.broadcast %broadcast_in_dim3A_33 : vector<2048x1xf32> to vector<2048x128xf32>
    %eq3A_35 = arith.cmpf oeq, %select_n3A_30, %eq3A_34 : vector<2048x128xf32>
    %and3A_36 = arith.andi %eq3A_35, %lt3A_7 : vector<2048x128xi1>
    %jit3A_37 = arith.constant 128 : i32
    %broadcast_in_dim3A_38 = vector.broadcast %jit3A_37 : i32 to vector<2048x128xi32>
    %select_n3A_39 = arith.select %and3A_36, %iota3A, %broadcast_in_dim3A_38 : vector<2048x128xi1>, vector<2048x128xi32>
    %reduce_min3A_40 = arith.constant dense<2147483647> : vector<2048xi32>
    %reduce_min3A_41 = vector.multi_reduction <minsi>, %select_n3A_39, %reduce_min3A_40 [1] : vector<2048x128xi32> to vector<2048xi32>
    %broadcast_in_dim3A_42 = vector.shape_cast %reduce_min3A_41 : vector<2048xi32> to vector<2048x1xi32>
    %iota3A_43 = tpu.iota {dimensions = array<i32: 0>} : vector<128x128xi32>
    %iota3A_44 = tpu.iota {dimensions = array<i32: 1>} : vector<128x128xi32>
    %lt3A_45 = arith.cmpi slt, %iota3A_44, %iota3A_43 : vector<128x128xi32>
    %convert_element_type3A = arith.extui %lt3A_45 : vector<128x128xi1> to vector<128x128xi32>
    %convert_element_type3A_46 = arith.sitofp %convert_element_type3A : vector<128x128xi32> to vector<128x128xf32>
    %broadcast_in_dim3A_47 = arith.constant 0.000000e+00 : f32
    %broadcast_in_dim3A_48 = vector.broadcast %broadcast_in_dim3A_47 : f32 to vector<1x128xf32>
    %eq3A_49 = vector.broadcast %broadcast_in_dim3A_25 : vector<2048x1xi32> to vector<2048x128xi32>
    %eq3A_50 = arith.cmpi eq, %iota3A, %eq3A_49 : vector<2048x128xi32>
    %convert_element_type3A_51 = arith.extui %eq3A_50 : vector<2048x128xi1> to vector<2048x128xi32>
    %convert_element_type3A_52 = arith.sitofp %convert_element_type3A_51 : vector<2048x128xi32> to vector<2048x128xf32>
    %swap3A = arith.constant 0 : index
    %swap3A_53 = arith.constant 0 : index
    %swap3A_54 = vector.load %arg8[%swap3A, %swap3A_53] : memref<2048x128xf32, #tpu.memory_space<vmem>>, vector<2048x128xf32>
    tpu.vector_store %arg8[%swap3A, %swap3A_53], %convert_element_type3A_52 {strides = array<i32>} : memref<2048x128xf32, #tpu.memory_space<vmem>>, vector<2048x128xf32>,
    %scan3A = arith.constant 0 : i32
    %scan3A_55 = arith.constant 16 : i32
    %scan3A_56 = arith.addi %scan3A, %scan3A_55 : i32
    %scan3A_57 = arith.constant 1 : i32
    %scan3A_58 = scf.for %scan3A_150 = %scan3A to %scan3A_56 step %scan3A_57 iter_args(%scan3A_151 = %broadcast_in_dim3A_48) -> (vector<1x128xf32>)  : i32 {
      %mul3A_152 = arith.constant 128 : i32
      %mul3A_153 = arith.muli %scan3A_150, %mul3A_152 : i32
      %get3A_154 = arith.index_cast %mul3A_153 : i32 to index
      %get3A_155 = arith.constant 0 : index
      %get3A_156 = vector.load %arg8[%get3A_154, %get3A_155] : memref<2048x128xf32, #tpu.memory_space<vmem>>, vector<128x128xf32>
      %dot_general3A_157 = arith.constant dense<0.000000e+00> : vector<128x128xf32>
      %dot_general3A_158 = tpu.matmul %convert_element_type3A_46, %get3A_156, %dot_general3A_157 {dimension_numbers = #tpu.dot_dimension_numbers<[1], [0], [0], [1], [0, 0, 1, 1], [], []>, transpose_lhs_hint = false} : vector<128x128xf32>, vector<128x128xf32>, vector<128x128xf32> -> vector<128x128xf32>
      %add3A_159 = vector.broadcast %scan3A_151 : vector<1x128xf32> to vector<128x128xf32>
      %add3A_160 = arith.addf %add3A_159, %dot_general3A_158 : vector<128x128xf32>
      %mul3A_161 = arith.mulf %add3A_160, %get3A_156 : vector<128x128xf32>
      %reduce_sum3A_162 = arith.constant dense<0.000000e+00> : vector<128xf32>
      %reduce_sum3A_163 = vector.multi_reduction <add>, %mul3A_161, %reduce_sum3A_162 [1] : vector<128x128xf32> to vector<128xf32>
      %broadcast_in_dim3A_164 = vector.shape_cast %reduce_sum3A_163 : vector<128xf32> to vector<128x1xf32>
      %mul3A_165 = arith.constant 128 : i32
      %mul3A_166 = arith.muli %scan3A_150, %mul3A_165 : i32
      %swap3A_167 = arith.index_cast %mul3A_166 : i32 to index
      %swap3A_168 = arith.constant 0 : index
      %swap3A_169 = vector.load %arg9[%swap3A_167, %swap3A_168] : memref<2048x1xf32, #tpu.memory_space<vmem>>, vector<128x1xf32>
      tpu.vector_store %arg9[%swap3A_167, %swap3A_168], %broadcast_in_dim3A_164 {strides = array<i32>} : memref<2048x1xf32, #tpu.memory_space<vmem>>, vector<128x1xf32>,
      %reduce_sum3A_170 = arith.constant dense<0.000000e+00> : vector<128xf32>
      %reduce_sum3A_171 = vector.multi_reduction <add>, %get3A_156, %reduce_sum3A_170 [0] : vector<128x128xf32> to vector<128xf32>
      %broadcast_in_dim3A_172 = vector.shape_cast %reduce_sum3A_171 : vector<128xf32> to vector<1x128xf32>
      %add3A_173 = arith.addf %scan3A_151, %broadcast_in_dim3A_172 : vector<1x128xf32>
      scf.yield %add3A_173 : vector<1x128xf32>
    }
    %scan3A_59 = arith.constant 16 : i32
    %get3A_60 = arith.constant 0 : index
    %get3A_61 = arith.constant 0 : index
    %get3A_62 = vector.load %arg9[%get3A_60, %get3A_61] : memref<2048x1xf32, #tpu.memory_space<vmem>>, vector<2048x1xf32>
    %lt3A_63 = arith.constant 5.380000e+02 : f32
    %lt3A_64 = vector.broadcast %lt3A_63 : f32 to vector<2048x1xf32>
    %lt3A_65 = arith.cmpf olt, %get3A_62, %lt3A_64 : vector<2048x1xf32>
    %convert_element_type3A_66 = arith.fptosi %get3A_62 : vector<2048x1xf32> to vector<2048x1xi32>
    %mul3A = arith.constant 544 : i32
    %mul3A_67 = vector.broadcast %mul3A : i32 to vector<2048x1xi32>
    %mul3A_68 = arith.muli %broadcast_in_dim3A_25, %mul3A_67 : vector<2048x1xi32>
    %add3A = arith.addi %mul3A_68, %convert_element_type3A_66 : vector<2048x1xi32>
    %jit3A_69 = arith.constant 4352 : i32
    %broadcast_in_dim3A_70 = vector.broadcast %jit3A_69 : i32 to vector<2048x1xi32>
    %select_n3A_71 = arith.select %lt3A_65, %add3A, %broadcast_in_dim3A_70 : vector<2048x1xi1>, vector<2048x1xi32>
    %swap3A_72 = arith.constant 0 : index
    %swap3A_73 = arith.constant 0 : index
    %swap3A_74 = vector.load %arg2[%swap3A_72, %swap3A_73] : memref<2048x1xi32, #tpu.memory_space<vmem>>, vector<2048x1xi32>
    tpu.vector_store %arg2[%swap3A_72, %swap3A_73], %select_n3A_71 {strides = array<i32>} : memref<2048x1xi32, #tpu.memory_space<vmem>>, vector<2048x1xi32>,
    %mul3A_75 = arith.constant 544 : i32
    %mul3A_76 = vector.broadcast %mul3A_75 : i32 to vector<2048x1xi32>
    %mul3A_77 = arith.muli %broadcast_in_dim3A_25, %mul3A_76 : vector<2048x1xi32>
    %add3A_78 = arith.constant 543 : i32
    %add3A_79 = vector.broadcast %add3A_78 : i32 to vector<2048x1xi32>
    %add3A_80 = arith.addi %mul3A_77, %add3A_79 : vector<2048x1xi32>
    %select_n3A_81 = arith.select %lt3A_65, %add3A, %add3A_80 : vector<2048x1xi1>, vector<2048x1xi32>
    %swap3A_82 = arith.constant 0 : index
    %swap3A_83 = arith.constant 0 : index
    %swap3A_84 = vector.load %arg4[%swap3A_82, %swap3A_83] : memref<2048x1xi32, #tpu.memory_space<vmem>>, vector<2048x1xi32>
    tpu.vector_store %arg4[%swap3A_82, %swap3A_83], %select_n3A_81 {strides = array<i32>} : memref<2048x1xi32, #tpu.memory_space<vmem>>, vector<2048x1xi32>,
    %jit3A_85 = arith.constant 0.000000e+00 : f32
    %broadcast_in_dim3A_86 = vector.broadcast %jit3A_85 : f32 to vector<2048x1xf32>
    %select_n3A_87 = arith.select %lt3A_65, %broadcast_in_dim3A_19, %broadcast_in_dim3A_86 : vector<2048x1xi1>, vector<2048x1xf32>
    %swap3A_88 = arith.constant 0 : index
    %swap3A_89 = arith.constant 0 : index
    %swap3A_90 = vector.load %arg6[%swap3A_88, %swap3A_89] : memref<2048x1xf32, #tpu.memory_space<vmem>>, vector<2048x1xf32>
    tpu.vector_store %arg6[%swap3A_88, %swap3A_89], %select_n3A_87 {strides = array<i32>} : memref<2048x1xf32, #tpu.memory_space<vmem>>, vector<2048x1xf32>,
    %get3A_91 = arith.constant 0 : index
    %get3A_92 = arith.constant 0 : index
    %get3A_93 = vector.load %arg8[%get3A_91, %get3A_92] : memref<2048x128xf32, #tpu.memory_space<vmem>>, vector<2048x128xf32>
    %jit3A_94 = arith.constant 1.000000e+00 : f32
    %jit3A_95 = arith.constant 0.000000e+00 : f32
    %broadcast_in_dim3A_96 = vector.broadcast %jit3A_94 : f32 to vector<2048x1xf32>
    %broadcast_in_dim3A_97 = vector.broadcast %jit3A_95 : f32 to vector<2048x1xf32>
    %select_n3A_98 = arith.select %lt3A_65, %broadcast_in_dim3A_96, %broadcast_in_dim3A_97 : vector<2048x1xi1>, vector<2048x1xf32>
    %mul3A_99 = vector.broadcast %select_n3A_98 : vector<2048x1xf32> to vector<2048x128xf32>
    %mul3A_100 = arith.mulf %get3A_93, %mul3A_99 : vector<2048x128xf32>
    %reduce_sum3A_101 = arith.constant dense<0.000000e+00> : vector<128xf32>
    %reduce_sum3A_102 = vector.multi_reduction <add>, %mul3A_100, %reduce_sum3A_101 [0] : vector<2048x128xf32> to vector<128xf32>
    %broadcast_in_dim3A_103 = vector.shape_cast %reduce_sum3A_102 : vector<128xf32> to vector<1x128xf32>
    %eq3A_104 = vector.broadcast %broadcast_in_dim3A_42 : vector<2048x1xi32> to vector<2048x128xi32>
    %eq3A_105 = arith.cmpi eq, %iota3A, %eq3A_104 : vector<2048x128xi32>
    %convert_element_type3A_106 = arith.extui %eq3A_105 : vector<2048x128xi1> to vector<2048x128xi32>
    %convert_element_type3A_107 = arith.sitofp %convert_element_type3A_106 : vector<2048x128xi32> to vector<2048x128xf32>
    %swap3A_108 = arith.constant 0 : index
    %swap3A_109 = arith.constant 0 : index
    %swap3A_110 = vector.load %arg8[%swap3A_108, %swap3A_109] : memref<2048x128xf32, #tpu.memory_space<vmem>>, vector<2048x128xf32>
    tpu.vector_store %arg8[%swap3A_108, %swap3A_109], %convert_element_type3A_107 {strides = array<i32>} : memref<2048x128xf32, #tpu.memory_space<vmem>>, vector<2048x128xf32>,
    %scan3A_111 = arith.constant 0 : i32
    %scan3A_112 = arith.constant 16 : i32
    %scan3A_113 = arith.addi %scan3A_111, %scan3A_112 : i32
    %scan3A_114 = arith.constant 1 : i32
    %scan3A_115 = scf.for %scan3A_150 = %scan3A_111 to %scan3A_113 step %scan3A_114 iter_args(%scan3A_151 = %broadcast_in_dim3A_103) -> (vector<1x128xf32>)  : i32 {
      %mul3A_152 = arith.constant 128 : i32
      %mul3A_153 = arith.muli %scan3A_150, %mul3A_152 : i32
      %get3A_154 = arith.index_cast %mul3A_153 : i32 to index
      %get3A_155 = arith.constant 0 : index
      %get3A_156 = vector.load %arg8[%get3A_154, %get3A_155] : memref<2048x128xf32, #tpu.memory_space<vmem>>, vector<128x128xf32>
      %dot_general3A_157 = arith.constant dense<0.000000e+00> : vector<128x128xf32>
      %dot_general3A_158 = tpu.matmul %convert_element_type3A_46, %get3A_156, %dot_general3A_157 {dimension_numbers = #tpu.dot_dimension_numbers<[1], [0], [0], [1], [0, 0, 1, 1], [], []>, transpose_lhs_hint = false} : vector<128x128xf32>, vector<128x128xf32>, vector<128x128xf32> -> vector<128x128xf32>
      %add3A_159 = vector.broadcast %scan3A_151 : vector<1x128xf32> to vector<128x128xf32>
      %add3A_160 = arith.addf %add3A_159, %dot_general3A_158 : vector<128x128xf32>
      %mul3A_161 = arith.mulf %add3A_160, %get3A_156 : vector<128x128xf32>
      %reduce_sum3A_162 = arith.constant dense<0.000000e+00> : vector<128xf32>
      %reduce_sum3A_163 = vector.multi_reduction <add>, %mul3A_161, %reduce_sum3A_162 [1] : vector<128x128xf32> to vector<128xf32>
      %broadcast_in_dim3A_164 = vector.shape_cast %reduce_sum3A_163 : vector<128xf32> to vector<128x1xf32>
      %mul3A_165 = arith.constant 128 : i32
      %mul3A_166 = arith.muli %scan3A_150, %mul3A_165 : i32
      %swap3A_167 = arith.index_cast %mul3A_166 : i32 to index
      %swap3A_168 = arith.constant 0 : index
      %swap3A_169 = vector.load %arg9[%swap3A_167, %swap3A_168] : memref<2048x1xf32, #tpu.memory_space<vmem>>, vector<128x1xf32>
      tpu.vector_store %arg9[%swap3A_167, %swap3A_168], %broadcast_in_dim3A_164 {strides = array<i32>} : memref<2048x1xf32, #tpu.memory_space<vmem>>, vector<128x1xf32>,
      %reduce_sum3A_170 = arith.constant dense<0.000000e+00> : vector<128xf32>
      %reduce_sum3A_171 = vector.multi_reduction <add>, %get3A_156, %reduce_sum3A_170 [0] : vector<128x128xf32> to vector<128xf32>
      %broadcast_in_dim3A_172 = vector.shape_cast %reduce_sum3A_171 : vector<128xf32> to vector<1x128xf32>
      %add3A_173 = arith.addf %scan3A_151, %broadcast_in_dim3A_172 : vector<1x128xf32>
      scf.yield %add3A_173 : vector<1x128xf32>
    }
    %scan3A_116 = arith.constant 16 : i32
    %get3A_117 = arith.constant 0 : index
    %get3A_118 = arith.constant 0 : index
    %get3A_119 = vector.load %arg9[%get3A_117, %get3A_118] : memref<2048x1xf32, #tpu.memory_space<vmem>>, vector<2048x1xf32>
    %lt3A_120 = arith.constant 5.380000e+02 : f32
    %lt3A_121 = vector.broadcast %lt3A_120 : f32 to vector<2048x1xf32>
    %lt3A_122 = arith.cmpf olt, %get3A_119, %lt3A_121 : vector<2048x1xf32>
    %convert_element_type3A_123 = arith.fptosi %get3A_119 : vector<2048x1xf32> to vector<2048x1xi32>
    %mul3A_124 = arith.constant 544 : i32
    %mul3A_125 = vector.broadcast %mul3A_124 : i32 to vector<2048x1xi32>
    %mul3A_126 = arith.muli %broadcast_in_dim3A_42, %mul3A_125 : vector<2048x1xi32>
    %add3A_127 = arith.addi %mul3A_126, %convert_element_type3A_123 : vector<2048x1xi32>
    %jit3A_128 = arith.constant 4352 : i32
    %broadcast_in_dim3A_129 = vector.broadcast %jit3A_128 : i32 to vector<2048x1xi32>
    %select_n3A_130 = arith.select %lt3A_122, %add3A_127, %broadcast_in_dim3A_129 : vector<2048x1xi1>, vector<2048x1xi32>
    %swap3A_131 = arith.constant 0 : index
    %swap3A_132 = arith.constant 0 : index
    %swap3A_133 = vector.load %arg3[%swap3A_131, %swap3A_132] : memref<2048x1xi32, #tpu.memory_space<vmem>>, vector<2048x1xi32>
    tpu.vector_store %arg3[%swap3A_131, %swap3A_132], %select_n3A_130 {strides = array<i32>} : memref<2048x1xi32, #tpu.memory_space<vmem>>, vector<2048x1xi32>,
    %mul3A_134 = arith.constant 544 : i32
    %mul3A_135 = vector.broadcast %mul3A_134 : i32 to vector<2048x1xi32>
    %mul3A_136 = arith.muli %broadcast_in_dim3A_42, %mul3A_135 : vector<2048x1xi32>
    %add3A_137 = arith.constant 543 : i32
    %add3A_138 = vector.broadcast %add3A_137 : i32 to vector<2048x1xi32>
    %add3A_139 = arith.addi %mul3A_136, %add3A_138 : vector<2048x1xi32>
    %select_n3A_140 = arith.select %lt3A_122, %add3A_127, %add3A_139 : vector<2048x1xi1>, vector<2048x1xi32>
    %swap3A_141 = arith.constant 0 : index
    %swap3A_142 = arith.constant 0 : index
    %swap3A_143 = vector.load %arg5[%swap3A_141, %swap3A_142] : memref<2048x1xi32, #tpu.memory_space<vmem>>, vector<2048x1xi32>
    tpu.vector_store %arg5[%swap3A_141, %swap3A_142], %select_n3A_140 {strides = array<i32>} : memref<2048x1xi32, #tpu.memory_space<vmem>>, vector<2048x1xi32>,
    %jit3A_144 = arith.constant 0.000000e+00 : f32
    %broadcast_in_dim3A_145 = vector.broadcast %jit3A_144 : f32 to vector<2048x1xf32>
    %select_n3A_146 = arith.select %lt3A_122, %broadcast_in_dim3A_33, %broadcast_in_dim3A_145 : vector<2048x1xi1>, vector<2048x1xf32>
    %swap3A_147 = arith.constant 0 : index
    %swap3A_148 = arith.constant 0 : index
    %swap3A_149 = vector.load %arg7[%swap3A_147, %swap3A_148] : memref<2048x1xf32, #tpu.memory_space<vmem>>, vector<2048x1xf32>
    tpu.vector_store %arg7[%swap3A_147, %swap3A_148], %select_n3A_146 {strides = array<i32>} : memref<2048x1xf32, #tpu.memory_space<vmem>>, vector<2048x1xf32>,
    return
  }
}

module attributes {stable_mosaic.version = 14 : i64} {
  func.func @body(%arg0: i32, %arg1: i32, %arg2: memref<1x544x768xf32, #tpu.memory_space<vmem>>, %arg3: memref<1x1536x768xf32, #tpu.memory_space<vmem>>, %arg4: memref<1x1x1536xf32, #tpu.memory_space<vmem>>, %arg5: memref<1x768x1536xf32, #tpu.memory_space<vmem>>, %arg6: memref<1x1x768xf32, #tpu.memory_space<vmem>>, %arg7: memref<1x544x768xf32, #tpu.memory_space<vmem>>) attributes {dimension_semantics = [#tpu.dimension_semantics<parallel>, #tpu.dimension_semantics<arbitrary>], iteration_bounds = array<i64: 8, 2>, scalar_prefetch = 0 : i64, scratch_operands = 0 : i64, tpu.core_type = #tpu.core_type<tc>, window_params = [{transform_indices = @transform_0, window_bounds = array<i64: 1, 544, 768>}, {transform_indices = @transform_1, window_bounds = array<i64: 1, 1536, 768>}, {transform_indices = @transform_2, window_bounds = array<i64: 1, 1, 1536>}, {transform_indices = @transform_3, window_bounds = array<i64: 1, 768, 1536>}, {transform_indices = @transform_4, window_bounds = array<i64: 1, 1, 768>}, {transform_indices = @transform_5, window_bounds = array<i64: 1, 544, 768>}]} {
    %get3A = arith.constant 0 : index
    %get3A_0 = arith.constant 0 : index
    %get3A_1 = arith.constant 0 : index
    %get3A_2 = vector.load %arg2[%get3A, %get3A_0, %get3A_1] : memref<1x544x768xf32, #tpu.memory_space<vmem>>, vector<1x544x768xf32>
    %get3A_3 = vector.shape_cast %get3A_2 : vector<1x544x768xf32> to vector<544x768xf32>
    %get3A_4 = arith.constant 0 : index
    %get3A_5 = arith.constant 0 : index
    %get3A_6 = arith.constant 0 : index
    %get3A_7 = vector.load %arg3[%get3A_4, %get3A_5, %get3A_6] : memref<1x1536x768xf32, #tpu.memory_space<vmem>>, vector<1x1536x768xf32>
    %get3A_8 = vector.shape_cast %get3A_7 : vector<1x1536x768xf32> to vector<1536x768xf32>
    %dot_general3A = arith.constant dense<0.000000e+00> : vector<544x1536xf32>
    %dot_general3A_9 = tpu.matmul %get3A_3, %get3A_8, %dot_general3A {dimension_numbers = #tpu.dot_dimension_numbers<[1], [1], [0], [0], [0, 0, 1, 0], [], []>, transpose_lhs_hint = false} : vector<544x768xf32>, vector<1536x768xf32>, vector<544x1536xf32> -> vector<544x1536xf32>
    %get3A_10 = arith.constant 0 : index
    %get3A_11 = arith.constant 0 : index
    %get3A_12 = arith.constant 0 : index
    %get3A_13 = vector.load %arg4[%get3A_10, %get3A_11, %get3A_12] : memref<1x1x1536xf32, #tpu.memory_space<vmem>>, vector<1x1x1536xf32>
    %get3A_14 = vector.shape_cast %get3A_13 : vector<1x1x1536xf32> to vector<1x1536xf32>
    %add3A = vector.broadcast %get3A_14 : vector<1x1536xf32> to vector<544x1536xf32>
    %add3A_15 = arith.addf %dot_general3A_9, %add3A : vector<544x1536xf32>
    %mul3A = arith.constant 5.000000e-01 : f32
    %mul3A_16 = vector.broadcast %mul3A : f32 to vector<544x1536xf32>
    %mul3A_17 = arith.mulf %mul3A_16, %add3A_15 : vector<544x1536xf32>
    %mul3A_18 = arith.constant 0.707106769 : f32
    %mul3A_19 = vector.broadcast %mul3A_18 : f32 to vector<544x1536xf32>
    %mul3A_20 = arith.mulf %add3A_15, %mul3A_19 : vector<544x1536xf32>
    %erf3A = math.erf %mul3A_20 : vector<544x1536xf32>
    %add3A_21 = arith.constant 1.000000e+00 : f32
    %add3A_22 = vector.broadcast %add3A_21 : f32 to vector<544x1536xf32>
    %add3A_23 = arith.addf %add3A_22, %erf3A : vector<544x1536xf32>
    %mul3A_24 = arith.mulf %mul3A_17, %add3A_23 : vector<544x1536xf32>
    %get3A_25 = arith.constant 0 : index
    %get3A_26 = arith.constant 0 : index
    %get3A_27 = arith.constant 0 : index
    %get3A_28 = vector.load %arg5[%get3A_25, %get3A_26, %get3A_27] : memref<1x768x1536xf32, #tpu.memory_space<vmem>>, vector<1x768x1536xf32>
    %get3A_29 = vector.shape_cast %get3A_28 : vector<1x768x1536xf32> to vector<768x1536xf32>
    %dot_general3A_30 = arith.constant dense<0.000000e+00> : vector<544x768xf32>
    %dot_general3A_31 = tpu.matmul %mul3A_24, %get3A_29, %dot_general3A_30 {dimension_numbers = #tpu.dot_dimension_numbers<[1], [1], [0], [0], [0, 0, 1, 0], [], []>, transpose_lhs_hint = false} : vector<544x1536xf32>, vector<768x1536xf32>, vector<544x768xf32> -> vector<544x768xf32>
    %eq3A = arith.constant 0 : i32
    %eq3A_32 = arith.cmpi eq, %arg1, %eq3A : i32
    %convert_element_type3A = arith.extui %eq3A_32 : i1 to i32
    %cond3A = arith.constant 0 : i32
    %cond3A_33 = arith.cmpi ne, %convert_element_type3A, %cond3A : i32
    scf.if %cond3A_33 {
      %get3A_45 = arith.constant 0 : index
      %get3A_46 = arith.constant 0 : index
      %get3A_47 = arith.constant 0 : index
      %get3A_48 = vector.load %arg6[%get3A_45, %get3A_46, %get3A_47] : memref<1x1x768xf32, #tpu.memory_space<vmem>>, vector<1x1x768xf32>
      %get3A_49 = vector.shape_cast %get3A_48 : vector<1x1x768xf32> to vector<1x768xf32>
      %broadcast_in_dim3A = vector.shape_cast %get3A_49 : vector<1x768xf32> to vector<1x768xf32>
      %broadcast_in_dim3A_50 = vector.broadcast %broadcast_in_dim3A : vector<1x768xf32> to vector<544x768xf32>
      %swap3A_51 = arith.constant 0 : index
      %swap3A_52 = arith.constant 0 : index
      %swap3A_53 = arith.constant 0 : index
      %swap3A_54 = vector.load %arg7[%swap3A_51, %swap3A_52, %swap3A_53] : memref<1x544x768xf32, #tpu.memory_space<vmem>>, vector<1x544x768xf32>
      %swap3A_55 = vector.shape_cast %swap3A_54 : vector<1x544x768xf32> to vector<544x768xf32>
      %swap3A_56 = vector.shape_cast %broadcast_in_dim3A_50 : vector<544x768xf32> to vector<1x544x768xf32>
      tpu.vector_store %arg7[%swap3A_51, %swap3A_52, %swap3A_53], %swap3A_56 {strides = array<i32>} : memref<1x544x768xf32, #tpu.memory_space<vmem>>, vector<1x544x768xf32>,
    } else {
    }
    %get3A_34 = arith.constant 0 : index
    %get3A_35 = arith.constant 0 : index
    %get3A_36 = arith.constant 0 : index
    %get3A_37 = vector.load %arg7[%get3A_34, %get3A_35, %get3A_36] : memref<1x544x768xf32, #tpu.memory_space<vmem>>, vector<1x544x768xf32>
    %get3A_38 = vector.shape_cast %get3A_37 : vector<1x544x768xf32> to vector<544x768xf32>
    %add3A_39 = arith.addf %get3A_38, %dot_general3A_31 : vector<544x768xf32>
    %swap3A = arith.constant 0 : index
    %swap3A_40 = arith.constant 0 : index
    %swap3A_41 = arith.constant 0 : index
    %swap3A_42 = vector.load %arg7[%swap3A, %swap3A_40, %swap3A_41] : memref<1x544x768xf32, #tpu.memory_space<vmem>>, vector<1x544x768xf32>
    %swap3A_43 = vector.shape_cast %swap3A_42 : vector<1x544x768xf32> to vector<544x768xf32>
    %swap3A_44 = vector.shape_cast %add3A_39 : vector<544x768xf32> to vector<1x544x768xf32>
    tpu.vector_store %arg7[%swap3A, %swap3A_40, %swap3A_41], %swap3A_44 {strides = array<i32>} : memref<1x544x768xf32, #tpu.memory_space<vmem>>, vector<1x544x768xf32>,
    return
  }
  func.func @transform_0(%arg0: i32, %arg1: i32) -> (i32, i32, i32) {
    %c0_i32 = arith.constant 0 : i32
    %c0_i32_0 = arith.constant 0 : i32
    %c0_i32_1 = arith.constant 0 : i32
    return %arg0, %c0_i32, %c0_i32_0 : i32, i32, i32
  }
  func.func @transform_1(%arg0: i32, %arg1: i32) -> (i32, i32, i32) {
    %c0_i32 = arith.constant 0 : i32
    %c0_i32_0 = arith.constant 0 : i32
    return %arg0, %arg1, %c0_i32 : i32, i32, i32
  }
  func.func @transform_2(%arg0: i32, %arg1: i32) -> (i32, i32, i32) {
    %c0_i32 = arith.constant 0 : i32
    %c0_i32_0 = arith.constant 0 : i32
    return %arg0, %c0_i32, %arg1 : i32, i32, i32
  }
  func.func @transform_3(%arg0: i32, %arg1: i32) -> (i32, i32, i32) {
    %c0_i32 = arith.constant 0 : i32
    %c0_i32_0 = arith.constant 0 : i32
    return %arg0, %c0_i32, %arg1 : i32, i32, i32
  }
  func.func @transform_4(%arg0: i32, %arg1: i32) -> (i32, i32, i32) {
    %c0_i32 = arith.constant 0 : i32
    %c0_i32_0 = arith.constant 0 : i32
    %c0_i32_1 = arith.constant 0 : i32
    return %arg0, %c0_i32, %c0_i32_0 : i32, i32, i32
  }
  func.func @transform_5(%arg0: i32, %arg1: i32) -> (i32, i32, i32) {
    %c0_i32 = arith.constant 0 : i32
    %c0_i32_0 = arith.constant 0 : i32
    %c0_i32_1 = arith.constant 0 : i32
    return %arg0, %c0_i32, %c0_i32_0 : i32, i32, i32
  }
}

</mosaic_0001>

<sc_bundles>
// kernel: kernel.6.cloned.1.call-start
scs
__scs_entry_jumppad:
0x0: {  	(pc) =	sbr.rel $0x88, $3  }
0x1: {  	(tag) =	ssettag $0x0;
	lr =	simm.s32 $0x1  }
0x2: {  	[smem:$0x3F9B] =	sst lr;
	_ =	strace $0xD0000000  }
0x3: {  	_ = 	snop  }
0x4: {  	_ = 	snop  }
0x5: {  	_ = 	snop  }
0x6: {  	_ = 	snop  }
0x7: {  	_ = 	snop  }
__scs_overlays_trampoline_lowered:
0x8: {  	[smem:$0x3FAA] =	sst s0  }
0x9: {  	[smem:$0x3FAB] =	sst s1  }
0xa: {  	[smem:$0x3FAC] =	sst s2  }
0xb: {  	[smem:$0x3FAD] =	sst s3  }
0xc: {  	[smem:$0x3FAE] =	sst s4  }
0xd: {  	[smem:$0x3FAF] =	sst s5  }
0xe: {  	[smem:$0x3FB0] =	sst s6  }
0xf: {  	[smem:$0x3FB1] =	sst s7  }
0x10: {  	[smem:$0x3FB2] =	sst s8  }
0x11: {  	[smem:$0x3FB3] =	sst s9;
	s0 =	simm.s32 @!p0 $0x0  }
0x12: {  	s1 =	sld [smem:$0x3F99];
	s0 =	simm.s32 @p0 $0x1  }
0x13: {  	[smem:$0x3FB4] =	sst s0;
	s0 =	simm.s32 @!p1 $0x0  }
0x14: {  	s2 =	sld [smem:$0x3F98];
	s0 =	simm.s32 @p1 $0x1  }
0x15: {  	[smem:$0x3FB5] =	sst s0;
	s0 =	simm.s32 @!p2 $0x0  }
0x16: {  	s3 =	sld [smem:$0x3FDB];
	s0 =	simm.s32 @p2 $0x1  }
0x17: {  	s4 =	simm.s32 $0x1BF5;
	[smem:$0x3FB7] =	sst s0  }
0x18: {  	s0 =	sld [smem:$0x3F9A];
	_ =	swait.ge [sflag:s4], $0x0  }
0x19: {  	s7 =	sld [smem:$0x3F9B]  }
0x1a: {  	s8 =	sadd.s32 $0xFFFFE003, lr  }
0x1b: {  	s9 =	sadd.s32 $0xFFFFFEF7, lr;
	s5 =	simm.s32 $0xFFFFFFFF;
	p2 =	slt.u32 s8, $0xFFFFF086  }
0x1c: {  	p1 =	slt.u32 s9, $0xF7A;
	s5 =	simm.s32 @!p2 $0x0  }
0x1d: {  	s5 =	simm.s32 @p1 $0x1;
	p0 =	seq.s32 s7, s2  }
0x1e: {  	s7 =	smul.u32 @!p0 $0xF7A, s2;
	p2 =	seq.s32 @!p0 s5, $0x0  }
0x1f: {  	s9 =	smul.u32 $0xF7A, s1;
	s8 =	simm.s32 @!p0 $0x1BF5;
	p2 =	por !p2, p0  }
0x20: {  	[sflag:s8] =	ssyncset.s32 @!p0 $0xFFFFF086;
	s6 =	sadd.s32 @!p0 s3, s7;
	s7 =	simm.s32 @!p0 $0x108  }
0x21: {  	s3 =	sadd.s32 s3, s9;
	s6 =	sadd.s32 @!p0 $0x88, s6;
	s7 =	simm.s32 @p2 $0x1082  }
0x22: {  	[simem:s7], [sflag:s8] =	dma.local @!p0 [hbm:s6], $0xF7A  }
0x23: {  	s9 =	sor.u32 $0xD0000000, s2;
	s6 =	simm.s32 $0x108;
	_ =	swait.ge @!p0 [sflag:s8], $0x0  }
0x24: {  	s3 =	sadd.s32 $0x88, s3;
	s6 =	simm.s32 @!p1 $0x1082;
	[sflag:s4] =	ssyncset.s32 $0xFFFFF086  }
0x25: {  	[simem:s6], [sflag:s4] =	dma.local [hbm:s3], $0xF7A  }
0x26: {  	[smem:$0x3F9B] =	sst s1;
	(tag) =	ssettag s2;
	_ =	strace s9  }
0x27: {  	s1 =	sld [smem:$0x3FAB]  }
0x28: {  	s2 =	sld [smem:$0x3FAC]  }
0x29: {  	s4 =	sld [smem:$0x3FAE]  }
0x2a: {  	p0 =	seq.s32 s5, $0x0;
	s5 =	sld [smem:$0x3FAF]  }
0x2b: {  	s6 =	sld [smem:$0x3FB0]  }
0x2c: {  	s7 =	sld [smem:$0x3FB1]  }
0x2d: {  	s3 =	simm.s32 $0x108;
	s8 =	sld [smem:$0x3FB2]  }
0x2e: {  	s3 =	simm.s32 @!p0 $0x1082;
	s9 =	sld [smem:$0x3FB3]  }
0x2f: {  	lr =	sadd.s32 s0, s3;
	s0 =	sld [smem:$0x3FAA]  }
0x30: {  	s3 =	sld [smem:$0x3FAD]  }
0x31: {  	[smem:$0x3FB6] =	sst s10  }
0x32: {  	s10 =	sld [smem:$0x3FB4];
	_ =	sdelay $0x3  }
0x33: {  	p0 =	seq.s32 s10, $0x1;
	s10 =	sld [smem:$0x3FB6];
	_ =	sdelay $0x3  }
0x34: {  	[smem:$0x3FB6] =	sst s10  }
0x35: {  	s10 =	sld [smem:$0x3FB5];
	_ =	sdelay $0x3  }
0x36: {  	p1 =	seq.s32 s10, $0x1;
	s10 =	sld [smem:$0x3FB6];
	_ =	sdelay $0x3  }
0x37: {  	[smem:$0x3FB6] =	sst s10  }
0x38: {  	s10 =	sld [smem:$0x3FB7]  }
0x39: {  	_ = 	snop;
	(pc) =	sbr.ind lr, $3  }
0x3a: {  	_ = 	snop  }
0x3b: {  	_ = 	snop  }
0x3c: {  	p2 =	seq.s32 s10, $0x1;
	s10 =	sld [smem:$0x3FB6]  }
0x3d: {  	_ =	shalt  }
0x3e: {  	_ =	shalt  }
0x3f: {  	_ =	shalt  }
0x40: {  	_ =	shalt  }
0x41: {  	_ =	shalt  }
0x42: {  	_ =	shalt  }
0x43: {  	_ =	shalt  }
0x44: {  	_ =	shalt  }
0x45: {  	_ =	shalt  }
0x46: {  	_ =	shalt  }
0x47: {  	_ =	shalt  }
0x48: {  	_ =	shalt  }
0x49: {  	_ =	shalt  }
0x4a: {  	_ =	shalt  }
0x4b: {  	_ =	shalt  }
0x4c: {  	_ =	shalt  }
0x4d: {  	_ =	shalt  }
0x4e: {  	_ =	shalt  }
0x4f: {  	_ =	shalt  }
0x50: {  	_ =	shalt  }
0x51: {  	_ =	shalt  }
0x52: {  	_ =	shalt  }
0x53: {  	_ =	shalt  }
0x54: {  	_ =	shalt  }
0x55: {  	_ =	shalt  }
0x56: {  	_ =	shalt  }
0x57: {  	_ =	shalt  }
0x58: {  	_ =	shalt  }
0x59: {  	_ =	shalt  }
0x5a: {  	_ =	shalt  }
0x5b: {  	_ =	shalt  }
0x5c: {  	_ =	shalt  }
0x5d: {  	_ =	shalt  }
0x5e: {  	_ =	shalt  }
0x5f: {  	_ =	shalt  }
0x60: {  	_ =	shalt  }
0x61: {  	_ =	shalt  }
0x62: {  	_ =	shalt  }
0x63: {  	_ =	shalt  }
0x64: {  	_ =	shalt  }
0x65: {  	_ =	shalt  }
0x66: {  	_ =	shalt  }
0x67: {  	_ =	shalt  }
0x68: {  	_ =	shalt  }
0x69: {  	_ =	shalt  }
0x6a: {  	_ =	shalt  }
0x6b: {  	_ =	shalt  }
0x6c: {  	_ =	shalt  }
0x6d: {  	_ =	shalt  }
0x6e: {  	_ =	shalt  }
0x6f: {  	_ =	shalt  }
0x70: {  	_ =	shalt  }
0x71: {  	_ =	shalt  }
0x72: {  	_ =	shalt  }
0x73: {  	_ =	shalt  }
0x74: {  	_ =	shalt  }
0x75: {  	_ =	shalt  }
0x76: {  	_ =	shalt  }
0x77: {  	_ =	shalt  }
0x78: {  	_ =	shalt  }
0x79: {  	_ =	shalt  }
0x7a: {  	_ =	shalt  }
0x7b: {  	_ =	shalt  }
0x7c: {  	_ =	shalt  }
0x7d: {  	_ =	shalt  }
0x7e: {  	_ =	shalt  }
0x7f: {  	_ =	shalt  }
0x80: {  	_ =	shalt  }
0x81: {  	_ =	shalt  }
0x82: {  	_ =	shalt  }
0x83: {  	_ =	shalt  }
0x84: {  	_ =	shalt  }
0x85: {  	_ =	shalt  }
0x86: {  	_ =	shalt  }
0x87: {  	_ =	shalt  }
.Lfunc_end0:
.L_simem_size_0:
called_computation_lowered:
.L_overlay_start_0:
0x88: {  	s2 =	sld [smem:$0x3FD9]  }
0x89: {  	s3 =	sld [smem:$0x3FFE];
	_ =	sdelay $0x1  }
0x8a: {  	s1 =	srdreg.scid  }
0x8b: {  	s0 =	sand.u32 $0x1, s1  }
0x8c: {  	s17 =	sshll.u32 s0, $0xA;
	s2 =	sadd.s32 s3, s2  }
0x8d: {  	s2 =	sadd.s32 s2, s17  }
0x8e: {  	[smem:$0x3FC2] =	sst s2  }
0x8f: {  	_ = 	snop  }
0x90: {  	s2 =	sld [smem:$0x3FC9]  }
0x91: {  	s18 =	sld [smem:$0x3FD0];
	(tm) =	ssettm $0x1  }
0x92: {  	s4 =	sld [smem:$0x3FFB];
	_ =	sdelay $0x3  }
0x93: {  	_ =	strace s4  }
0x94: {  	s4 =	sld [smem:$0x3FFC];
	_ =	sdelay $0x3  }
0x95: {  	_ =	strace s4  }
0x96: {  	s4 =	sld [smem:$0x3FFD];
	_ =	sdelay $0x3  }
0x97: {  	_ =	strace s4  }
0x98: {  	_ =	strace $0x8FFFFFFF  }
0x99: {  	s19 =	sld [smem:$0x3FDB];
	_ =	sdelay $0x1  }
0x9a: {  	s5 =	simm.s32 $_scs_section_size  }
0x9b: {  	s6 =	simm.s32 $_size__tile_overlayer_lowered;
	s7 =	simm.s32 $_tile_overlayer_lowered  }
0x9c: {  	s22 =	simm.s32 $0x1BFF;
	s21 =	sshll.u32 s7, $0x1;
	s4 =	sadd.s32 s5, s19  }
0x9d: {  	s8 =	simm.s32 $0x0;
	s20 =	sshll.u32 s6, $0x1;
	s6 =	sadd.s32 s21, s4  }
0x9e: {  	[timem:s8], [sflag:s22] =	dma.local [hbm:s6], s20  }
0x9f: {  	_ =	swait.ge [sflag:s22], s20  }
0xa0: {  	s5 =	ssub.s32 $0x0, s20;
	[sflag:s22] =	ssyncset.done $0x0  }
0xa1: {  	[sflag:s22] =	ssyncadd.s32 s5;
	_ =	sdelay $0x1  }
0xa2: {  	s23 =	simm.s32 $0x1B8B  }
0xa3: {  	_ =	swait.ge [sflag:s23], $0x1  }
0xa4: {  	[sflag:s23] =	ssyncset.done $0x0  }
0xa5: {  	s25 =	simm.s32 $0x1B8E;
	s24 =	sld [smem:$0x3FFE];
	[sflag:s23] =	ssyncadd.s32 $0xFFFFFFFF  }
0xa6: {  	s26 =	simm.s32 $execute0_lowered;
	[smem:$0x3FD2] =	sst s25  }
0xa7: {  	s6 =	sshll.u32 s26, $0x1;
	_ =	strace $0x80000046;
	[dreg:$0x1] =	wrdreg $0xFFFFFFFF  }
0xa8: {  	s28 =	simm.s32 $_size_execute0_lowered;
	s4 =	sadd.s32 s4, s6;
	[dreg:$0x0] =	wrdreg $0x0  }
0xa9: {  	s6 =	sshll.u32 s28, $0x1;
	[dreg:$0x2] =	wrdreg s4  }
0xaa: {  	[dreg:$0x3] =	wrdreg s6  }
0xab: {  	[dreg:$0x4] =	wrdreg $0xC0  }
0xac: {  	_ =	task [dreg:s8], $0x5FFFF  }
0xad: {  	[dreg:$0x1] =	wrdreg $0xFFFFFFFF  }
0xae: {  	[dreg:$0x0] =	wrdreg $0x60  }
0xaf: {  	[dreg:$0x2] =	wrdreg s18  }
0xb0: {  	[dreg:$0x3] =	wrdreg s24  }
0xb1: {  	[dreg:$0x4] =	wrdreg s2  }
0xb2: {  	[dreg:$0x5] =	wrdreg $0x9  }
0xb3: {  	_ =	task.clear_ibuf [dreg:s8], $0x6FFFF;
	_ =	strace $0x90000046  }
0xb4: {  	s29 =	simm.s32 $0x9;
	_ =	strace $0x80000048  }
0xb5: {  	_ =	swait.ge [sflag:s29], $0x1  }
0xb6: {  	[sflag:s29] =	ssyncadd.s32 $0xFFFFFFFF  }
0xb7: {  	_ =	strace $0x90000048  }
0xb8: {  	_ =	sfence  }
0xb9: {  	s30 =	sld [smem:$0x0];
	_ =	sdelay $0x2  }
0xba: {  	s31 =	sshll.u32 s1, $0xD;
	s1 =	sshrl.u32 s1, $0x2  }
0xbb: {  	s3 =	sand.u32 $0x4000, s31;
	s1 =	sadd.s32 s1, s30  }
0xbc: {  	s0 =	sor.u32 s3, s0;
	s1 =	sshll.u32 s1, $0x11  }
0xbd: {  	s0 =	sor.u32 s1, s0  }
0xbe: {  	s0 =	sadd.s32 $0x8F2B, s0  }
0xbf: {  	[sflag:s0] =	ssyncadd.remote.s32 $0x1  }
0xc0: {  	_ =	sfence.sel $0xFFFF  }
0xc1: {  	[dreg:$0x0] =	wrdreg $0xFFFFFFFF;
	(pc) =	sbr.abs _section_cstart, $3  }
0xc2: {  	[dreg:$0x1] =	wrdreg $0xFFFFFFFF  }
0xc3: {  	_ =	task.clear_ibuf [dreg:s8], $0x2FFFF;
	_ =	strace $0x9FFFFFFF  }
0xc4: {  	(tm) =	ssettm $0x7FFFFFFF  }
0xc5: {  	_ =	shalt  }
tec
execute0_lowered:
.L_overlay_start_1:
0x0: {  	(tag) =	ssettag $0x1  }
0x1: {  	s0 =	srdreg.scid  }
0x2: {  	s1 =	stileid.u32;
	s3 =	rddreg [dreg:$0x1]  }
0x3: {  	s5 =	rddreg [dreg:$0x2];
	s6 =	simm.s32 $0x0;
	s12 =	simm.s32 $0x2  }
0x4: {  	s14 =	simm.s32 $0x2180;
	s26 =	simm.s32 $0x13180;
	s28 =	simm.s32 $0x13980  }
0x5: {  	s29 =	simm.s32 $0x14180;
	s30 =	simm.s32 $0x14980;
	s31 =	simm.s32 $0x15180  }
0x6: {  	s11 =	simm.s32 $0x17980;
	s13 =	simm.s32 $0x18180;
	s15 =	simm.s32 $0x18980  }
0x7: {  	s16 =	simm.s32 $0x19180;
	s0 =	sand.u32 $0x1, s0;
	s1 =	sshll.u32 s1, $0x1  }
0x8: {  	s17 =	simm.s32 $0x19980;
	s18 =	simm.s32 $0x1A180;
	s1 =	sor.u32 s0, s1  }
0x9: {  	s19 =	simm.s32 $0x1A980;
	s20 =	simm.s32 $0x1B180;
	s4 =	smul.u32 $0x88, s1  }
0xa: {  	s21 =	simm.s32 $0x1;
	s22 =	simm.s32 $0x0;
	[smem:$0x7FF] =	sst s6  }
0xb: {  	s7 =	sadd.s32 $0x100, s5;
	s0 =	ssub.s32 $0x2, s0;
	s1 =	sshrl.u32 s4, $0x3  }
0xc: {  	s8 =	sadd.s32 $0x200, s5;
	s2 =	sshrl.u32 s0, $0x1;
	s1 =	smul.u32 $0x300, s1  }
0xd: {  	v0 =	vlaneseq.u32;
	_ =	strace $0x80000047;
	s0 =	ssub.s32 s0, s2;
	s2 =	simm.s32 $0x16980  }
0xe: {  	v1 =	vimm.s32 $0x0;
	vm0 =	vmmov $0xffff;
	v3 =	vshrl.u32 v0, $0x3;
	s10 =	smax.u32 s0, $0x1;
	s0 =	simm.s32 $0x16180;
	s1 =	sadd.s32 s1, s3  }
0xf: {  	v2 =	vand.u32 $0x7, v0;
	v4 =	vor.u32 $0x8, v0;
	v3 =	vmul.u32 $0x8, v3;
	s3 =	simm.s32 $0x17180;
	s9 =	sadd.s32 $0x200, s1;
	s1 =	simm.s32 $0x15980  }
.LBB2_1:
0x10: {  	s23 =	rddreg [dreg:$0x0];
	s24 =	simm.s32 $0x1180  }
0x11: {  	[tilespmem:s24], [sflag:$0x2] =	stream.linear.gather [hbm4b:s23+s6], $0x800, $0x38;
	[tilespmem:$0x1B980] =	vst v63  }
0x12: {  	_ =	swait.ge [sflag:s12], $0x800  }
0x13: {  	[sflag:s12] =	ssyncset.done $0x0  }
0x14: {  	[sflag:s12] =	ssyncadd.s32 $0xFFFFF800  }
0x15: {  	s25 =	simm.s32 $0x1980;
	s24 =	rddreg [dreg:$0x1]  }
0x16: {  	[tilespmem:s25], [sflag:$0x2] =	stream.linear.gather [hbm4b:s24+s6], $0x800, $0x38;
	[tilespmem:$0x1B980] =	vst v63  }
0x17: {  	_ =	swait.ge [sflag:s12], $0x800  }
0x18: {  	[sflag:s12] =	ssyncset.done $0x0  }
0x19: {  	s23 =	simm.s32 $0x0;
	[sflag:s12] =	ssyncadd.s32 $0xFFFFF800  }
.LBB2_2:
0x1a: {  	p0 =	sne.s32 s23, $0x4400  }
.Ltmp0:
0x1b: {  	_ = 	snop;
	(pc) =	sbr.rel @p0 .LBB2_2-.Ltmp0, $3  }
0x1c: {  	_ =	sdelay $0x1  }
0x1d: {  	s24 =	sshra.s32 s23, $0x2  }
0x1e: {  	s23 =	sadd.s32 $0x40, s23;
	[tilespmem:s24+$0x0] =	vst v1  }
0x1f: {  	s23 =	simm.s32 $0x0;
	s24 =	simm.s32 $0x1180;
	s25 =	simm.s32 $0x1980  }
.LBB2_4:
0x20: {  	v5 =	vld [tilespmem:s24+$0x0];
	_ =	sdelay $0x6  }
0x21: {  	v6 =	vor.u32 s23, v0  }
0x22: {  	[tilespmem:v5+s6+$0x0] =	vst.idx.msk $0xffff, v6  }
0x23: {  	v5 =	vld [tilespmem:s25+$0x0];
	_ =	sdelay $0x2  }
0x24: {  	p0 =	sne.s32 s23, $0x7F0  }
.Ltmp1:
0x25: {  	_ = 	snop;
	(pc) =	sbr.rel @p0 .LBB2_4-.Ltmp1, $2  }
0x26: {  	_ =	sdelay $0x2  }
0x27: {  	s24 =	sadd.s32 $0x10, s24;
	s23 =	sadd.s32 $0x10, s23;
	s25 =	sadd.s32 $0x10, s25;
	[tilespmem:v5+s6+$0x0] =	vst.idx.msk $0xffff, v6  }
0x28: {  	v5 =	vld [tilespmem:s4+$0x0];
	_ =	sdelay $0x4  }
0x29: {  	v6 =	vshrl.u32 v5, $0x3  }
0x2a: {  	v6 =	vmul.u32 $0x30, v6  }
0x2b: {  	v5 =	vand.u32 $0x7, v5  }
0x2c: {  	v5 =	vor.u32 v5, v6  }
0x2d: {  	v6 =	vperm.xlane v5, v2;
	_ =	sdelay $0x1  }
0x2e: {  	v6 =	vadd.s32 v3, v6;
	_ =	sdelay $0x3  }
0x2f: {  	v5 =	vperm.xlane v5, v4  }
0x30: {  	[tilespmem:s14], [sflag:$0x1] =	stream.indirect_vreg.gather [hbm4b:s5+s6], $0x80, v6, vm0, $0xb8;
	[tilespmem:$0x1B980] =	vst v63  }
0x31: {  	s23 =	simm.s32 $0x2980;
	v5 =	vadd.s32 v3, v5  }
0x32: {  	[tilespmem:s23], [sflag:$0x1] =	stream.indirect_vreg.gather [hbm4b:s7+s6], $0x80, v6, vm0, $0xb8;
	[tilespmem:$0x1B980] =	vst v63  }
0x33: {  	s24 =	simm.s32 $0x3180  }
0x34: {  	[tilespmem:s24], [sflag:$0x1] =	stream.indirect_vreg.gather [hbm4b:s8+s6], $0x80, v6, vm0, $0xb8;
	[tilespmem:$0x1B980] =	vst v63  }
0x35: {  	s25 =	simm.s32 $0x3980  }
0x36: {  	[tilespmem:s25], [sflag:$0x1] =	stream.indirect_vreg.gather [hbm4b:s5+s6], $0x80, v5, vm0, $0xb8;
	[tilespmem:$0x1B980] =	vst v63  }
0x37: {  	s24 =	simm.s32 $0x4180  }
0x38: {  	[tilespmem:s24], [sflag:$0x1] =	stream.indirect_vreg.gather [hbm4b:s7+s6], $0x80, v5, vm0, $0xb8;
	[tilespmem:$0x1B980] =	vst v63  }
0x39: {  	s25 =	simm.s32 $0x4980  }
0x3a: {  	[tilespmem:s25], [sflag:$0x1] =	stream.indirect_vreg.gather [hbm4b:s8+s6], $0x80, v5, vm0, $0xb8;
	[tilespmem:$0x1B980] =	vst v63  }
0x3b: {  	v5 =	vld [tilespmem:s4+$0x10];
	_ =	sdelay $0x4  }
0x3c: {  	v6 =	vshrl.u32 v5, $0x3  }
0x3d: {  	v6 =	vmul.u32 $0x30, v6  }
0x3e: {  	v5 =	vand.u32 $0x7, v5  }
0x3f: {  	v5 =	vor.u32 v5, v6  }
0x40: {  	v6 =	vperm.xlane v5, v2;
	_ =	sdelay $0x1  }
0x41: {  	v6 =	vadd.s32 v3, v6;
	_ =	sdelay $0x3  }
0x42: {  	s24 =	simm.s32 $0x5180;
	v5 =	vperm.xlane v5, v4  }
0x43: {  	[tilespmem:s24], [sflag:$0x1] =	stream.indirect_vreg.gather [hbm4b:s5+s6], $0x80, v6, vm0, $0xb8;
	[tilespmem:$0x1B980] =	vst v63  }
0x44: {  	s25 =	simm.s32 $0x5980;
	v5 =	vadd.s32 v3, v5  }
0x45: {  	[tilespmem:s25], [sflag:$0x1] =	stream.indirect_vreg.gather [hbm4b:s7+s6], $0x80, v6, vm0, $0xb8;
	[tilespmem:$0x1B980] =	vst v63  }
0x46: {  	s24 =	simm.s32 $0x6180  }
0x47: {  	[tilespmem:s24], [sflag:$0x1] =	stream.indirect_vreg.gather [hbm4b:s8+s6], $0x80, v6, vm0, $0xb8;
	[tilespmem:$0x1B980] =	vst v63  }
0x48: {  	s25 =	simm.s32 $0x6980  }
0x49: {  	[tilespmem:s25], [sflag:$0x1] =	stream.indirect_vreg.gather [hbm4b:s5+s6], $0x80, v5, vm0, $0xb8;
	[tilespmem:$0x1B980] =	vst v63  }
0x4a: {  	s24 =	simm.s32 $0x7180  }
0x4b: {  	[tilespmem:s24], [sflag:$0x1] =	stream.indirect_vreg.gather [hbm4b:s7+s6], $0x80, v5, vm0, $0xb8;
	[tilespmem:$0x1B980] =	vst v63  }
0x4c: {  	s25 =	simm.s32 $0x7980  }
0x4d: {  	[tilespmem:s25], [sflag:$0x1] =	stream.indirect_vreg.gather [hbm4b:s8+s6], $0x80, v5, vm0, $0xb8;
	[tilespmem:$0x1B980] =	vst v63  }
0x4e: {  	v5 =	vld [tilespmem:s4+$0x20];
	_ =	sdelay $0x4  }
0x4f: {  	v6 =	vshrl.u32 v5, $0x3  }
0x50: {  	v6 =	vmul.u32 $0x30, v6  }
0x51: {  	v5 =	vand.u32 $0x7, v5  }
0x52: {  	v5 =	vor.u32 v5, v6  }
0x53: {  	v6 =	vperm.xlane v5, v2;
	_ =	sdelay $0x1  }
0x54: {  	v6 =	vadd.s32 v3, v6;
	_ =	sdelay $0x3  }
0x55: {  	s24 =	simm.s32 $0x8180;
	v5 =	vperm.xlane v5, v4  }
0x56: {  	[tilespmem:s24], [sflag:$0x1] =	stream.indirect_vreg.gather [hbm4b:s5+s6], $0x80, v6, vm0, $0xb8;
	[tilespmem:$0x1B980] =	vst v63  }
0x57: {  	s25 =	simm.s32 $0x8980;
	v5 =	vadd.s32 v3, v5  }
0x58: {  	[tilespmem:s25], [sflag:$0x1] =	stream.indirect_vreg.gather [hbm4b:s7+s6], $0x80, v6, vm0, $0xb8;
	[tilespmem:$0x1B980] =	vst v63  }
0x59: {  	s24 =	simm.s32 $0x9180  }
0x5a: {  	[tilespmem:s24], [sflag:$0x1] =	stream.indirect_vreg.gather [hbm4b:s8+s6], $0x80, v6, vm0, $0xb8;
	[tilespmem:$0x1B980] =	vst v63  }
0x5b: {  	s25 =	simm.s32 $0x9980  }
0x5c: {  	[tilespmem:s25], [sflag:$0x1] =	stream.indirect_vreg.gather [hbm4b:s5+s6], $0x80, v5, vm0, $0xb8;
	[tilespmem:$0x1B980] =	vst v63  }
0x5d: {  	s24 =	simm.s32 $0xA180  }
0x5e: {  	[tilespmem:s24], [sflag:$0x1] =	stream.indirect_vreg.gather [hbm4b:s7+s6], $0x80, v5, vm0, $0xb8;
	[tilespmem:$0x1B980] =	vst v63  }
0x5f: {  	s25 =	simm.s32 $0xA980  }
0x60: {  	[tilespmem:s25], [sflag:$0x1] =	stream.indirect_vreg.gather [hbm4b:s8+s6], $0x80, v5, vm0, $0xb8;
	[tilespmem:$0x1B980] =	vst v63  }
0x61: {  	v5 =	vld [tilespmem:s4+$0x30];
	_ =	sdelay $0x4  }
0x62: {  	v6 =	vshrl.u32 v5, $0x3  }
0x63: {  	v6 =	vmul.u32 $0x30, v6  }
0x64: {  	v5 =	vand.u32 $0x7, v5  }
0x65: {  	v5 =	vor.u32 v5, v6  }
0x66: {  	v6 =	vperm.xlane v5, v2;
	_ =	sdelay $0x1  }
0x67: {  	v6 =	vadd.s32 v3, v6;
	_ =	sdelay $0x3  }
0x68: {  	s24 =	simm.s32 $0xB180;
	v5 =	vperm.xlane v5, v4  }
0x69: {  	[tilespmem:s24], [sflag:$0x1] =	stream.indirect_vreg.gather [hbm4b:s5+s6], $0x80, v6, vm0, $0xb8;
	[tilespmem:$0x1B980] =	vst v63  }
0x6a: {  	s25 =	simm.s32 $0xB980;
	v5 =	vadd.s32 v3, v5  }
0x6b: {  	[tilespmem:s25], [sflag:$0x1] =	stream.indirect_vreg.gather [hbm4b:s7+s6], $0x80, v6, vm0, $0xb8;
	[tilespmem:$0x1B980] =	vst v63  }
0x6c: {  	s24 =	simm.s32 $0xC180  }
0x6d: {  	[tilespmem:s24], [sflag:$0x1] =	stream.indirect_vreg.gather [hbm4b:s8+s6], $0x80, v6, vm0, $0xb8;
	[tilespmem:$0x1B980] =	vst v63  }
0x6e: {  	s25 =	simm.s32 $0xC980  }
0x6f: {  	[tilespmem:s25], [sflag:$0x1] =	stream.indirect_vreg.gather [hbm4b:s5+s6], $0x80, v5, vm0, $0xb8;
	[tilespmem:$0x1B980] =	vst v63  }
0x70: {  	s24 =	simm.s32 $0xD180  }
0x71: {  	[tilespmem:s24], [sflag:$0x1] =	stream.indirect_vreg.gather [hbm4b:s7+s6], $0x80, v5, vm0, $0xb8;
	[tilespmem:$0x1B980] =	vst v63  }
0x72: {  	s25 =	simm.s32 $0xD980  }
0x73: {  	[tilespmem:s25], [sflag:$0x1] =	stream.indirect_vreg.gather [hbm4b:s8+s6], $0x80, v5, vm0, $0xb8;
	[tilespmem:$0x1B980] =	vst v63  }
0x74: {  	v5 =	vld [tilespmem:s4+$0x40];
	_ =	sdelay $0x4  }
0x75: {  	v6 =	vshrl.u32 v5, $0x3  }
0x76: {  	v6 =	vmul.u32 $0x30, v6  }
0x77: {  	v5 =	vand.u32 $0x7, v5  }
0x78: {  	v5 =	vor.u32 v5, v6  }
0x79: {  	v6 =	vperm.xlane v5, v2;
	_ =	sdelay $0x1  }
0x7a: {  	v6 =	vadd.s32 v3, v6;
	_ =	sdelay $0x3  }
0x7b: {  	s24 =	simm.s32 $0xE180;
	v5 =	vperm.xlane v5, v4  }
0x7c: {  	[tilespmem:s24], [sflag:$0x1] =	stream.indirect_vreg.gather [hbm4b:s5+s6], $0x80, v6, vm0, $0xb8;
	[tilespmem:$0x1B980] =	vst v63  }
0x7d: {  	s25 =	simm.s32 $0xE980;
	v5 =	vadd.s32 v3, v5  }
0x7e: {  	[tilespmem:s25], [sflag:$0x1] =	stream.indirect_vreg.gather [hbm4b:s7+s6], $0x80, v6, vm0, $0xb8;
	[tilespmem:$0x1B980] =	vst v63  }
0x7f: {  	s24 =	simm.s32 $0xF180  }
0x80: {  	[tilespmem:s24], [sflag:$0x1] =	stream.indirect_vreg.gather [hbm4b:s8+s6], $0x80, v6, vm0, $0xb8;
	[tilespmem:$0x1B980] =	vst v63  }
0x81: {  	s25 =	simm.s32 $0xF980  }
0x82: {  	[tilespmem:s25], [sflag:$0x1] =	stream.indirect_vreg.gather [hbm4b:s5+s6], $0x80, v5, vm0, $0xb8;
	[tilespmem:$0x1B980] =	vst v63  }
0x83: {  	s24 =	simm.s32 $0x10180  }
0x84: {  	[tilespmem:s24], [sflag:$0x1] =	stream.indirect_vreg.gather [hbm4b:s7+s6], $0x80, v5, vm0, $0xb8;
	[tilespmem:$0x1B980] =	vst v63  }
0x85: {  	s25 =	simm.s32 $0x10980  }
0x86: {  	[tilespmem:s25], [sflag:$0x1] =	stream.indirect_vreg.gather [hbm4b:s8+s6], $0x80, v5, vm0, $0xb8;
	[tilespmem:$0x1B980] =	vst v63  }
0x87: {  	v5 =	vld [tilespmem:s4+$0x50];
	_ =	sdelay $0x4  }
0x88: {  	v6 =	vshrl.u32 v5, $0x3  }
0x89: {  	v6 =	vmul.u32 $0x30, v6  }
0x8a: {  	v5 =	vand.u32 $0x7, v5  }
0x8b: {  	v5 =	vor.u32 v5, v6  }
0x8c: {  	v6 =	vperm.xlane v5, v2;
	_ =	sdelay $0x1  }
0x8d: {  	v6 =	vadd.s32 v3, v6;
	_ =	sdelay $0x3  }
0x8e: {  	s24 =	simm.s32 $0x11180;
	v5 =	vperm.xlane v5, v4  }
0x8f: {  	[tilespmem:s24], [sflag:$0x1] =	stream.indirect_vreg.gather [hbm4b:s5+s6], $0x80, v6, vm0, $0xb8;
	[tilespmem:$0x1B980] =	vst v63  }
0x90: {  	s25 =	simm.s32 $0x11980;
	v5 =	vadd.s32 v3, v5  }
0x91: {  	[tilespmem:s25], [sflag:$0x1] =	stream.indirect_vreg.gather [hbm4b:s7+s6], $0x80, v6, vm0, $0xb8;
	[tilespmem:$0x1B980] =	vst v63  }
0x92: {  	s24 =	simm.s32 $0x12180  }
0x93: {  	[tilespmem:s24], [sflag:$0x1] =	stream.indirect_vreg.gather [hbm4b:s8+s6], $0x80, v6, vm0, $0xb8;
	[tilespmem:$0x1B980] =	vst v63  }
0x94: {  	s25 =	simm.s32 $0x12980  }
0x95: {  	[tilespmem:s25], [sflag:$0x1] =	stream.indirect_vreg.gather [hbm4b:s5+s6], $0x80, v5, vm0, $0xb8;
	[tilespmem:$0x1B980] =	vst v63  }
0x96: {  	_ = 	snop  }
0x97: {  	[tilespmem:s26], [sflag:$0x1] =	stream.indirect_vreg.gather [hbm4b:s7+s6], $0x80, v5, vm0, $0xb8;
	[tilespmem:$0x1B980] =	vst v63  }
0x98: {  	_ = 	snop  }
0x99: {  	[tilespmem:s28], [sflag:$0x1] =	stream.indirect_vreg.gather [hbm4b:s8+s6], $0x80, v5, vm0, $0xb8;
	[tilespmem:$0x1B980] =	vst v63  }
0x9a: {  	v5 =	vld [tilespmem:s4+$0x60];
	_ =	sdelay $0x4  }
0x9b: {  	v6 =	vshrl.u32 v5, $0x3  }
0x9c: {  	v6 =	vmul.u32 $0x30, v6  }
0x9d: {  	v5 =	vand.u32 $0x7, v5  }
0x9e: {  	v5 =	vor.u32 v5, v6  }
0x9f: {  	v6 =	vperm.xlane v5, v2;
	_ =	sdelay $0x1  }
0xa0: {  	v6 =	vadd.s32 v3, v6;
	_ =	sdelay $0x3  }
0xa1: {  	v5 =	vperm.xlane v5, v4  }
0xa2: {  	[tilespmem:s29], [sflag:$0x1] =	stream.indirect_vreg.gather [hbm4b:s5+s6], $0x80, v6, vm0, $0xb8;
	[tilespmem:$0x1B980] =	vst v63  }
0xa3: {  	v5 =	vadd.s32 v3, v5  }
0xa4: {  	[tilespmem:s30], [sflag:$0x1] =	stream.indirect_vreg.gather [hbm4b:s7+s6], $0x80, v6, vm0, $0xb8;
	[tilespmem:$0x1B980] =	vst v63  }
0xa5: {  	_ = 	snop  }
0xa6: {  	[tilespmem:s31], [sflag:$0x1] =	stream.indirect_vreg.gather [hbm4b:s8+s6], $0x80, v6, vm0, $0xb8;
	[tilespmem:$0x1B980] =	vst v63  }
0xa7: {  	_ = 	snop  }
0xa8: {  	[tilespmem:s1], [sflag:$0x1] =	stream.indirect_vreg.gather [hbm4b:s5+s6], $0x80, v5, vm0, $0xb8;
	[tilespmem:$0x1B980] =	vst v63  }
0xa9: {  	_ = 	snop  }
0xaa: {  	[tilespmem:s0], [sflag:$0x1] =	stream.indirect_vreg.gather [hbm4b:s7+s6], $0x80, v5, vm0, $0xb8;
	[tilespmem:$0x1B980] =	vst v63  }
0xab: {  	_ = 	snop  }
0xac: {  	[tilespmem:s2], [sflag:$0x1] =	stream.indirect_vreg.gather [hbm4b:s8+s6], $0x80, v5, vm0, $0xb8;
	[tilespmem:$0x1B980] =	vst v63  }
0xad: {  	v5 =	vld [tilespmem:s4+$0x70];
	_ =	sdelay $0x4  }
0xae: {  	v6 =	vshrl.u32 v5, $0x3  }
0xaf: {  	v6 =	vmul.u32 $0x30, v6  }
0xb0: {  	v5 =	vand.u32 $0x7, v5  }
0xb1: {  	v5 =	vor.u32 v5, v6  }
0xb2: {  	v6 =	vperm.xlane v5, v2;
	_ =	sdelay $0x1  }
0xb3: {  	v6 =	vadd.s32 v3, v6;
	_ =	sdelay $0x3  }
0xb4: {  	v5 =	vperm.xlane v5, v4  }
0xb5: {  	[tilespmem:s3], [sflag:$0x1] =	stream.indirect_vreg.gather [hbm4b:s5+s6], $0x80, v6, vm0, $0xb8;
	[tilespmem:$0x1B980] =	vst v63  }
0xb6: {  	v5 =	vadd.s32 v3, v5  }
0xb7: {  	[tilespmem:s11], [sflag:$0x1] =	stream.indirect_vreg.gather [hbm4b:s7+s6], $0x80, v6, vm0, $0xb8;
	[tilespmem:$0x1B980] =	vst v63  }
0xb8: {  	_ = 	snop  }
0xb9: {  	[tilespmem:s13], [sflag:$0x1] =	stream.indirect_vreg.gather [hbm4b:s8+s6], $0x80, v6, vm0, $0xb8;
	[tilespmem:$0x1B980] =	vst v63  }
0xba: {  	_ = 	snop  }
0xbb: {  	[tilespmem:s15], [sflag:$0x1] =	stream.indirect_vreg.gather [hbm4b:s5+s6], $0x80, v5, vm0, $0xb8;
	[tilespmem:$0x1B980] =	vst v63  }
0xbc: {  	_ = 	snop  }
0xbd: {  	[tilespmem:s16], [sflag:$0x1] =	stream.indirect_vreg.gather [hbm4b:s7+s6], $0x80, v5, vm0, $0xb8;
	[tilespmem:$0x1B980] =	vst v63  }
0xbe: {  	_ = 	snop  }
0xbf: {  	[tilespmem:s17], [sflag:$0x1] =	stream.indirect_vreg.gather [hbm4b:s8+s6], $0x80, v5, vm0, $0xb8;
	[tilespmem:$0x1B980] =	vst v63  }
0xc0: {  	v5 =	vld.msk [tilespmem:s4+$0x80], $0xff;
	_ =	sdelay $0x4  }
0xc1: {  	v6 =	vshrl.u32 v5, $0x3  }
0xc2: {  	v6 =	vmul.u32 $0x30, v6  }
0xc3: {  	v5 =	vand.u32 $0x7, v5  }
0xc4: {  	v5 =	vor.u32 v5, v6  }
0xc5: {  	v5 =	vperm.xlane v5, v2;
	_ =	sdelay $0x1  }
0xc6: {  	v5 =	vadd.s32 v3, v5;
	_ =	sdelay $0x4  }
0xc7: {  	[tilespmem:s18], [sflag:$0x1] =	stream.indirect_vreg.gather [hbm4b:s5+s6], $0x80, v5, vm0, $0xb8;
	[tilespmem:$0x1B980] =	vst v63  }
0xc8: {  	_ = 	snop  }
0xc9: {  	[tilespmem:s19], [sflag:$0x1] =	stream.indirect_vreg.gather [hbm4b:s7+s6], $0x80, v5, vm0, $0xb8;
	[tilespmem:$0x1B980] =	vst v63  }
0xca: {  	_ = 	snop  }
0xcb: {  	[tilespmem:s20], [sflag:$0x1] =	stream.indirect_vreg.gather [hbm4b:s8+s6], $0x80, v5, vm0, $0xb8;
	[tilespmem:$0x1B980] =	vst v63  }
0xcc: {  	s22 =	sadd.s32 $0x1, s22;
	_ =	swait.ge [sflag:s21], $0x19800  }
0xcd: {  	p0 =	sne.s32 s22, s10;
	[sflag:s21] =	ssyncset.done $0x0  }
.Ltmp2:
0xce: {  	[sflag:s21] =	ssyncadd.s32 $0xFFFE6800;
	(pc) =	sbr.rel @p0 .LBB2_1-.Ltmp2, $4  }
0xcf: {  	[hbm4b:s9+s6] =	stream.linear.scatter [tilespmem:s14], [sflag:$0x2], $0x19800, $0x38;
	[tilespmem:$0x1B980] =	vst v63  }
0xd0: {  	_ =	swait.ge [sflag:s12], $0x19800  }
0xd1: {  	[sflag:s12] =	ssyncset.done $0x0  }
0xd2: {  	[sflag:s12] =	ssyncadd.s32 $0xFFFE6800  }
0xd3: {  	_ =	sfence.sel $0x180000  }
0xd4: {  	[bflag:$0x0] =	sbarrier.arrive $0xFFFF  }
0xd5: {  	_ =	strace $0x90000047  }
0xd6: {  	s0 =	stileid.u32;
	[bflag:$0x2] =	sbarrier.arrive $0xFFFF  }
0xd7: {  	p0 =	sne.s32 s0, $0x0;
	s0 =	rddreg [dreg:$0x3]  }
0xd8: {  	s0 =	sadd.s32 @!p0 $0x100000, s0  }
0xd9: {  	[sflag:s0] =	ssyncadd.tile.s32 @!p0 $0x1;
	_ =	shalt  }
.Lfunc_end2:
_tile_overlayer_lowered:
.L_overlay_start_2:
0xda: {  	(tag) =	ssettag $0x2  }
0xdb: {  	s0 =	rddreg [dreg:$0x0];
	s2 =	stileid.u32  }
0xdc: {  	s1 =	rddreg [dreg:$0x1];
	p0 =	sne.s32 s2, $0x0  }
0xdd: {  	s3 =	rddreg [dreg:$0x2];
	[bflag:$0x3] =	sbarrier.arrive $0xFFFF;
	s2 =	simm.s32 @!p0 $0x1C02  }
0xde: {  	[timem:s3], [sflag:s2] =	dma.local @!p0 [hbm:s0], s1  }
0xdf: {  	s0 =	simm.s32 @!p0 $0x2  }
0xe0: {  	_ =	swait.ge @!p0 [sflag:s0], s1  }
0xe1: {  	s1 =	ssub.s32 @!p0 $0x0, s1;
	[sflag:s0] =	ssyncset.done @!p0 $0x0  }
0xe2: {  	[sflag:s0] =	ssyncadd.s32 @!p0 s1  }
0xe3: {  	[bflag:$0x3] =	sbarrier.arrive $0xFFFF  }
0xe4: {  	_ =	shalt  }

// kernel: kernel.9.cloned.1.call-start
scs
__scs_entry_jumppad:
0x0: {  	(pc) =	sbr.rel $0x88, $3  }
0x1: {  	(tag) =	ssettag $0x0;
	lr =	simm.s32 $0x1  }
0x2: {  	[smem:$0x3F9B] =	sst lr;
	_ =	strace $0xD0000000  }
0x3: {  	_ = 	snop  }
0x4: {  	_ = 	snop  }
0x5: {  	_ = 	snop  }
0x6: {  	_ = 	snop  }
0x7: {  	_ = 	snop  }
__scs_overlays_trampoline_lowered:
0x8: {  	[smem:$0x3FAA] =	sst s0  }
0x9: {  	[smem:$0x3FAB] =	sst s1  }
0xa: {  	[smem:$0x3FAC] =	sst s2  }
0xb: {  	[smem:$0x3FAD] =	sst s3  }
0xc: {  	[smem:$0x3FAE] =	sst s4  }
0xd: {  	[smem:$0x3FAF] =	sst s5  }
0xe: {  	[smem:$0x3FB0] =	sst s6  }
0xf: {  	[smem:$0x3FB1] =	sst s7  }
0x10: {  	[smem:$0x3FB2] =	sst s8  }
0x11: {  	[smem:$0x3FB3] =	sst s9;
	s0 =	simm.s32 @!p0 $0x0  }
0x12: {  	s1 =	sld [smem:$0x3F99];
	s0 =	simm.s32 @p0 $0x1  }
0x13: {  	[smem:$0x3FB4] =	sst s0;
	s0 =	simm.s32 @!p1 $0x0  }
0x14: {  	s2 =	sld [smem:$0x3F98];
	s0 =	simm.s32 @p1 $0x1  }
0x15: {  	[smem:$0x3FB5] =	sst s0;
	s0 =	simm.s32 @!p2 $0x0  }
0x16: {  	s3 =	sld [smem:$0x3FDB];
	s0 =	simm.s32 @p2 $0x1  }
0x17: {  	s4 =	simm.s32 $0x1BF5;
	[smem:$0x3FB7] =	sst s0  }
0x18: {  	s0 =	sld [smem:$0x3F9A];
	_ =	swait.ge [sflag:s4], $0x0  }
0x19: {  	s7 =	sld [smem:$0x3F9B]  }
0x1a: {  	s8 =	sadd.s32 $0xFFFFE003, lr  }
0x1b: {  	s9 =	sadd.s32 $0xFFFFFEF7, lr;
	s5 =	simm.s32 $0xFFFFFFFF;
	p2 =	slt.u32 s8, $0xFFFFF086  }
0x1c: {  	p1 =	slt.u32 s9, $0xF7A;
	s5 =	simm.s32 @!p2 $0x0  }
0x1d: {  	s5 =	simm.s32 @p1 $0x1;
	p0 =	seq.s32 s7, s2  }
0x1e: {  	s7 =	smul.u32 @!p0 $0xF7A, s2;
	p2 =	seq.s32 @!p0 s5, $0x0  }
0x1f: {  	s9 =	smul.u32 $0xF7A, s1;
	s8 =	simm.s32 @!p0 $0x1BF5;
	p2 =	por !p2, p0  }
0x20: {  	[sflag:s8] =	ssyncset.s32 @!p0 $0xFFFFF086;
	s6 =	sadd.s32 @!p0 s3, s7;
	s7 =	simm.s32 @!p0 $0x108  }
0x21: {  	s3 =	sadd.s32 s3, s9;
	s6 =	sadd.s32 @!p0 $0x88, s6;
	s7 =	simm.s32 @p2 $0x1082  }
0x22: {  	[simem:s7], [sflag:s8] =	dma.local @!p0 [hbm:s6], $0xF7A  }
0x23: {  	s9 =	sor.u32 $0xD0000000, s2;
	s6 =	simm.s32 $0x108;
	_ =	swait.ge @!p0 [sflag:s8], $0x0  }
0x24: {  	s3 =	sadd.s32 $0x88, s3;
	s6 =	simm.s32 @!p1 $0x1082;
	[sflag:s4] =	ssyncset.s32 $0xFFFFF086  }
0x25: {  	[simem:s6], [sflag:s4] =	dma.local [hbm:s3], $0xF7A  }
0x26: {  	[smem:$0x3F9B] =	sst s1;
	(tag) =	ssettag s2;
	_ =	strace s9  }
0x27: {  	s1 =	sld [smem:$0x3FAB]  }
0x28: {  	s2 =	sld [smem:$0x3FAC]  }
0x29: {  	s4 =	sld [smem:$0x3FAE]  }
0x2a: {  	p0 =	seq.s32 s5, $0x0;
	s5 =	sld [smem:$0x3FAF]  }
0x2b: {  	s6 =	sld [smem:$0x3FB0]  }
0x2c: {  	s7 =	sld [smem:$0x3FB1]  }
0x2d: {  	s3 =	simm.s32 $0x108;
	s8 =	sld [smem:$0x3FB2]  }
0x2e: {  	s3 =	simm.s32 @!p0 $0x1082;
	s9 =	sld [smem:$0x3FB3]  }
0x2f: {  	lr =	sadd.s32 s0, s3;
	s0 =	sld [smem:$0x3FAA]  }
0x30: {  	s3 =	sld [smem:$0x3FAD]  }
0x31: {  	[smem:$0x3FB6] =	sst s10  }
0x32: {  	s10 =	sld [smem:$0x3FB4];
	_ =	sdelay $0x3  }
0x33: {  	p0 =	seq.s32 s10, $0x1;
	s10 =	sld [smem:$0x3FB6];
	_ =	sdelay $0x3  }
0x34: {  	[smem:$0x3FB6] =	sst s10  }
0x35: {  	s10 =	sld [smem:$0x3FB5];
	_ =	sdelay $0x3  }
0x36: {  	p1 =	seq.s32 s10, $0x1;
	s10 =	sld [smem:$0x3FB6];
	_ =	sdelay $0x3  }
0x37: {  	[smem:$0x3FB6] =	sst s10  }
0x38: {  	s10 =	sld [smem:$0x3FB7]  }
0x39: {  	_ = 	snop;
	(pc) =	sbr.ind lr, $3  }
0x3a: {  	_ = 	snop  }
0x3b: {  	_ = 	snop  }
0x3c: {  	p2 =	seq.s32 s10, $0x1;
	s10 =	sld [smem:$0x3FB6]  }
0x3d: {  	_ =	shalt  }
0x3e: {  	_ =	shalt  }
0x3f: {  	_ =	shalt  }
0x40: {  	_ =	shalt  }
0x41: {  	_ =	shalt  }
0x42: {  	_ =	shalt  }
0x43: {  	_ =	shalt  }
0x44: {  	_ =	shalt  }
0x45: {  	_ =	shalt  }
0x46: {  	_ =	shalt  }
0x47: {  	_ =	shalt  }
0x48: {  	_ =	shalt  }
0x49: {  	_ =	shalt  }
0x4a: {  	_ =	shalt  }
0x4b: {  	_ =	shalt  }
0x4c: {  	_ =	shalt  }
0x4d: {  	_ =	shalt  }
0x4e: {  	_ =	shalt  }
0x4f: {  	_ =	shalt  }
0x50: {  	_ =	shalt  }
0x51: {  	_ =	shalt  }
0x52: {  	_ =	shalt  }
0x53: {  	_ =	shalt  }
0x54: {  	_ =	shalt  }
0x55: {  	_ =	shalt  }
0x56: {  	_ =	shalt  }
0x57: {  	_ =	shalt  }
0x58: {  	_ =	shalt  }
0x59: {  	_ =	shalt  }
0x5a: {  	_ =	shalt  }
0x5b: {  	_ =	shalt  }
0x5c: {  	_ =	shalt  }
0x5d: {  	_ =	shalt  }
0x5e: {  	_ =	shalt  }
0x5f: {  	_ =	shalt  }
0x60: {  	_ =	shalt  }
0x61: {  	_ =	shalt  }
0x62: {  	_ =	shalt  }
0x63: {  	_ =	shalt  }
0x64: {  	_ =	shalt  }
0x65: {  	_ =	shalt  }
0x66: {  	_ =	shalt  }
0x67: {  	_ =	shalt  }
0x68: {  	_ =	shalt  }
0x69: {  	_ =	shalt  }
0x6a: {  	_ =	shalt  }
0x6b: {  	_ =	shalt  }
0x6c: {  	_ =	shalt  }
0x6d: {  	_ =	shalt  }
0x6e: {  	_ =	shalt  }
0x6f: {  	_ =	shalt  }
0x70: {  	_ =	shalt  }
0x71: {  	_ =	shalt  }
0x72: {  	_ =	shalt  }
0x73: {  	_ =	shalt  }
0x74: {  	_ =	shalt  }
0x75: {  	_ =	shalt  }
0x76: {  	_ =	shalt  }
0x77: {  	_ =	shalt  }
0x78: {  	_ =	shalt  }
0x79: {  	_ =	shalt  }
0x7a: {  	_ =	shalt  }
0x7b: {  	_ =	shalt  }
0x7c: {  	_ =	shalt  }
0x7d: {  	_ =	shalt  }
0x7e: {  	_ =	shalt  }
0x7f: {  	_ =	shalt  }
0x80: {  	_ =	shalt  }
0x81: {  	_ =	shalt  }
0x82: {  	_ =	shalt  }
0x83: {  	_ =	shalt  }
0x84: {  	_ =	shalt  }
0x85: {  	_ =	shalt  }
0x86: {  	_ =	shalt  }
0x87: {  	_ =	shalt  }
.Lfunc_end0:
.L_simem_size_0:
called_computation.1_lowered:
.L_overlay_start_0:
0x88: {  	s2 =	sld [smem:$0x3FD9]  }
0x89: {  	s3 =	sld [smem:$0x3FFE];
	_ =	sdelay $0x1  }
0x8a: {  	s1 =	srdreg.scid  }
0x8b: {  	s0 =	sand.u32 $0x1, s1  }
0x8c: {  	s17 =	sshll.u32 s0, $0xA;
	s2 =	sadd.s32 s3, s2  }
0x8d: {  	s2 =	sadd.s32 s2, s17  }
0x8e: {  	[smem:$0x3FC2] =	sst s2  }
0x8f: {  	_ = 	snop  }
0x90: {  	s2 =	sld [smem:$0x3FD0];
	(tm) =	ssettm $0x1  }
0x91: {  	s18 =	sld [smem:$0x3FFB];
	_ =	sdelay $0x3  }
0x92: {  	_ =	strace s18  }
0x93: {  	s3 =	sld [smem:$0x3FFC];
	_ =	sdelay $0x3  }
0x94: {  	_ =	strace s3  }
0x95: {  	s3 =	sld [smem:$0x3FFD];
	_ =	sdelay $0x3  }
0x96: {  	_ =	strace s3  }
0x97: {  	_ =	strace $0x8FFFFFFF  }
0x98: {  	s19 =	sld [smem:$0x3FDB];
	_ =	sdelay $0x1  }
0x99: {  	s4 =	simm.s32 $_scs_section_size  }
0x9a: {  	s5 =	simm.s32 $_size__tile_overlayer_lowered;
	s6 =	simm.s32 $_tile_overlayer_lowered  }
0x9b: {  	s22 =	simm.s32 $0x1BFF;
	s21 =	sshll.u32 s6, $0x1;
	s3 =	sadd.s32 s4, s19  }
0x9c: {  	s7 =	simm.s32 $0x0;
	s20 =	sshll.u32 s5, $0x1;
	s5 =	sadd.s32 s21, s3  }
0x9d: {  	[timem:s7], [sflag:s22] =	dma.local [hbm:s5], s20  }
0x9e: {  	_ =	swait.ge [sflag:s22], s20  }
0x9f: {  	s4 =	ssub.s32 $0x0, s20;
	[sflag:s22] =	ssyncset.done $0x0  }
0xa0: {  	[sflag:s22] =	ssyncadd.s32 s4;
	_ =	sdelay $0x1  }
0xa1: {  	s23 =	simm.s32 $0x1B8B  }
0xa2: {  	_ =	swait.ge [sflag:s23], $0x1  }
0xa3: {  	[sflag:s23] =	ssyncset.done $0x0  }
0xa4: {  	s25 =	simm.s32 $0x1B8E;
	s24 =	sld [smem:$0x3FFE];
	[sflag:s23] =	ssyncadd.s32 $0xFFFFFFFF  }
0xa5: {  	s26 =	simm.s32 $execute0_lowered;
	[smem:$0x3FD2] =	sst s25  }
0xa6: {  	s5 =	sshll.u32 s26, $0x1;
	_ =	strace $0x80000049;
	[dreg:$0x1] =	wrdreg $0xFFFFFFFF  }
0xa7: {  	s28 =	simm.s32 $_size_execute0_lowered;
	s3 =	sadd.s32 s3, s5;
	[dreg:$0x0] =	wrdreg $0x0  }
0xa8: {  	s5 =	sshll.u32 s28, $0x1;
	[dreg:$0x2] =	wrdreg s3  }
0xa9: {  	[dreg:$0x3] =	wrdreg s5  }
0xaa: {  	[dreg:$0x4] =	wrdreg $0xC0  }
0xab: {  	_ =	task [dreg:s7], $0x5FFFF  }
0xac: {  	[dreg:$0x1] =	wrdreg $0xFFFFFFFF  }
0xad: {  	[dreg:$0x0] =	wrdreg $0x60  }
0xae: {  	[dreg:$0x2] =	wrdreg s24  }
0xaf: {  	[dreg:$0x3] =	wrdreg s2  }
0xb0: {  	[dreg:$0x4] =	wrdreg $0x9  }
0xb1: {  	_ =	task.clear_ibuf [dreg:s7], $0x5FFFF;
	_ =	strace $0x90000049  }
0xb2: {  	s29 =	simm.s32 $0x9;
	_ =	strace $0x8000004B  }
0xb3: {  	_ =	swait.ge [sflag:s29], $0x1  }
0xb4: {  	[sflag:s29] =	ssyncadd.s32 $0xFFFFFFFF  }
0xb5: {  	_ =	strace $0x9000004B  }
0xb6: {  	_ =	sfence  }
0xb7: {  	s30 =	sld [smem:$0x0];
	_ =	sdelay $0x2  }
0xb8: {  	s31 =	sshll.u32 s1, $0xD;
	s1 =	sshrl.u32 s1, $0x2  }
0xb9: {  	s3 =	sand.u32 $0x4000, s31;
	s1 =	sadd.s32 s1, s30  }
0xba: {  	s0 =	sor.u32 s3, s0;
	s1 =	sshll.u32 s1, $0x11  }
0xbb: {  	s0 =	sor.u32 s1, s0  }
0xbc: {  	s0 =	sadd.s32 $0x8F2B, s0  }
0xbd: {  	[sflag:s0] =	ssyncadd.remote.s32 $0x1  }
0xbe: {  	_ =	sfence.sel $0xFFFF  }
0xbf: {  	[dreg:$0x0] =	wrdreg $0xFFFFFFFF;
	(pc) =	sbr.abs _section_cstart, $3  }
0xc0: {  	[dreg:$0x1] =	wrdreg $0xFFFFFFFF  }
0xc1: {  	_ =	task.clear_ibuf [dreg:s7], $0x2FFFF;
	_ =	strace $0x9FFFFFFF  }
0xc2: {  	(tm) =	ssettm $0x7FFFFFFF  }
0xc3: {  	_ =	shalt  }
tec
execute0_lowered:
.L_overlay_start_1:
0x0: {  	(tag) =	ssettag $0x1  }
0x1: {  	s1 =	rddreg [dreg:$0x0]  }
0x2: {  	s0 =	rddreg [dreg:$0x1];
	s2 =	srdreg.scid;
	s3 =	simm.s32 $0x0  }
0x3: {  	s4 =	stileid.u32;
	s12 =	simm.s32 $0x2;
	s14 =	simm.s32 $0x18100  }
0x4: {  	s15 =	simm.s32 $0x18180;
	s16 =	simm.s32 $0x100;
	s23 =	simm.s32 $0x1  }
0x5: {  	s21 =	simm.s32 $0x13100;
	s22 =	simm.s32 $0x13900;
	s24 =	simm.s32 $0x14100  }
0x6: {  	s25 =	simm.s32 $0x14900;
	s28 =	simm.s32 $0x15900;
	s29 =	simm.s32 $0x16100  }
0x7: {  	s30 =	simm.s32 $0x16900;
	s31 =	simm.s32 $0x17100;
	s2 =	sand.u32 $0x1, s2  }
0x8: {  	s4 =	sshll.u32 s4, $0x4;
	[smem:$0x7FF] =	sst s3;
	s8 =	sadd.s32 $0x100, s1  }
0x9: {  	s9 =	sadd.s32 $0x200, s1;
	s5 =	sshll.u32 s2, $0x3;
	s2 =	ssub.s32 $0x2, s2  }
0xa: {  	_ =	strace $0x8000004A;
	s6 =	sor.u32 s5, s4;
	s26 =	sshrl.u32 s2, $0x1  }
0xb: {  	s7 =	sadd.s32 s6, s1;
	s2 =	ssub.s32 s2, s26;
	s10 =	smul.u32 $0x300, s6  }
0xc: {  	v2 =	vlaneseq.u32;
	s26 =	simm.s32 $0x15100;
	s4 =	sadd.s32 $0x66200, s7;
	s5 =	sadd.s32 $0x66400, s7  }
0xd: {  	vm0 =	vmmov $0xffff;
	v1 =	vshrl.u32 v2, $0x3;
	s6 =	sadd.s32 $0x66600, s7;
	s7 =	sadd.s32 $0x66800, s7;
	s11 =	smax.u32 s2, $0x1  }
0xe: {  	v0 =	vand.u32 $0x7, v2;
	v2 =	vor.u32 $0x8, v2;
	v1 =	vmul.u32 $0x8, v1;
	s2 =	simm.s32 $0x0;
	s10 =	sadd.s32 s0, s10;
	s0 =	simm.s32 $0x17900  }
.LBB2_1:
0xf: {  	[tilespmem:s3], [sflag:$0x2] =	stream.linear.gather [hbm4b:s4+s3], $0x40, $0x38;
	[tilespmem:$0x18200] =	vst v63  }
0x10: {  	_ =	swait.ge [sflag:s12], $0x40  }
0x11: {  	[sflag:s12] =	ssyncset.done $0x0  }
0x12: {  	s13 =	simm.s32 $0x80;
	[sflag:s12] =	ssyncadd.s32 $0xFFFFFFC0  }
0x13: {  	[tilespmem:s13], [sflag:$0x2] =	stream.linear.gather [hbm4b:s5+s3], $0x40, $0x38;
	[tilespmem:$0x18200] =	vst v63  }
0x14: {  	_ =	swait.ge [sflag:s12], $0x40  }
0x15: {  	[sflag:s12] =	ssyncset.done $0x0  }
0x16: {  	[sflag:s12] =	ssyncadd.s32 $0xFFFFFFC0  }
0x17: {  	[tilespmem:s14], [sflag:$0x2] =	stream.linear.gather [hbm4b:s6+s3], $0x40, $0x38;
	[tilespmem:$0x18200] =	vst v63  }
0x18: {  	_ =	swait.ge [sflag:s12], $0x40  }
0x19: {  	[sflag:s12] =	ssyncset.done $0x0  }
0x1a: {  	[sflag:s12] =	ssyncadd.s32 $0xFFFFFFC0  }
0x1b: {  	[tilespmem:s15], [sflag:$0x2] =	stream.linear.gather [hbm4b:s7+s3], $0x40, $0x38;
	[tilespmem:$0x18200] =	vst v63  }
0x1c: {  	_ =	swait.ge [sflag:s12], $0x40  }
0x1d: {  	[sflag:s12] =	ssyncset.done $0x0  }
0x1e: {  	[sflag:s12] =	ssyncadd.s32 $0xFFFFFFC0  }
0x1f: {  	v3 =	vld [tilespmem:$0x0];
	_ =	sdelay $0x4  }
0x20: {  	v4 =	vshrl.u32 v3, $0x3  }
0x21: {  	v4 =	vmul.u32 $0x30, v4  }
0x22: {  	v3 =	vand.u32 $0x7, v3  }
0x23: {  	v3 =	vor.u32 v3, v4  }
0x24: {  	v4 =	vperm.xlane v3, v0;
	_ =	sdelay $0x1  }
0x25: {  	v4 =	vadd.s32 v1, v4;
	_ =	sdelay $0x3  }
0x26: {  	v3 =	vperm.xlane v3, v2  }
0x27: {  	[tilespmem:s16], [sflag:$0x1] =	stream.indirect_vreg.gather [hbm4b:s1+s3], $0x80, v4, vm0, $0xb8;
	[tilespmem:$0x18200] =	vst v63  }
0x28: {  	s19 =	simm.s32 $0x900;
	v3 =	vadd.s32 v1, v3  }
0x29: {  	[tilespmem:s19], [sflag:$0x1] =	stream.indirect_vreg.gather [hbm4b:s8+s3], $0x80, v4, vm0, $0xb8;
	[tilespmem:$0x18200] =	vst v63  }
0x2a: {  	s20 =	simm.s32 $0x1100  }
0x2b: {  	[tilespmem:s20], [sflag:$0x1] =	stream.indirect_vreg.gather [hbm4b:s9+s3], $0x80, v4, vm0, $0xb8;
	[tilespmem:$0x18200] =	vst v63  }
0x2c: {  	s17 =	simm.s32 $0x1900  }
0x2d: {  	[tilespmem:s17], [sflag:$0x1] =	stream.indirect_vreg.gather [hbm4b:s1+s3], $0x80, v3, vm0, $0xb8;
	[tilespmem:$0x18200] =	vst v63  }
0x2e: {  	s18 =	simm.s32 $0x2100  }
0x2f: {  	[tilespmem:s18], [sflag:$0x1] =	stream.indirect_vreg.gather [hbm4b:s8+s3], $0x80, v3, vm0, $0xb8;
	[tilespmem:$0x18200] =	vst v63  }
0x30: {  	s19 =	simm.s32 $0x2900  }
0x31: {  	[tilespmem:s19], [sflag:$0x1] =	stream.indirect_vreg.gather [hbm4b:s9+s3], $0x80, v3, vm0, $0xb8;
	[tilespmem:$0x18200] =	vst v63  }
0x32: {  	v3 =	vld [tilespmem:$0x10];
	_ =	sdelay $0x4  }
0x33: {  	v4 =	vshrl.u32 v3, $0x3  }
0x34: {  	v4 =	vmul.u32 $0x30, v4  }
0x35: {  	v3 =	vand.u32 $0x7, v3  }
0x36: {  	v3 =	vor.u32 v3, v4  }
0x37: {  	v4 =	vperm.xlane v3, v0;
	_ =	sdelay $0x1  }
0x38: {  	v4 =	vadd.s32 v1, v4;
	_ =	sdelay $0x3  }
0x39: {  	s20 =	simm.s32 $0x3100;
	v3 =	vperm.xlane v3, v2  }
0x3a: {  	[tilespmem:s20], [sflag:$0x1] =	stream.indirect_vreg.gather [hbm4b:s1+s3], $0x80, v4, vm0, $0xb8;
	[tilespmem:$0x18200] =	vst v63  }
0x3b: {  	s17 =	simm.s32 $0x3900;
	v3 =	vadd.s32 v1, v3  }
0x3c: {  	[tilespmem:s17], [sflag:$0x1] =	stream.indirect_vreg.gather [hbm4b:s8+s3], $0x80, v4, vm0, $0xb8;
	[tilespmem:$0x18200] =	vst v63  }
0x3d: {  	s18 =	simm.s32 $0x4100  }
0x3e: {  	[tilespmem:s18], [sflag:$0x1] =	stream.indirect_vreg.gather [hbm4b:s9+s3], $0x80, v4, vm0, $0xb8;
	[tilespmem:$0x18200] =	vst v63  }
0x3f: {  	s19 =	simm.s32 $0x4900  }
0x40: {  	[tilespmem:s19], [sflag:$0x1] =	stream.indirect_vreg.gather [hbm4b:s1+s3], $0x80, v3, vm0, $0xb8;
	[tilespmem:$0x18200] =	vst v63  }
0x41: {  	s20 =	simm.s32 $0x5100  }
0x42: {  	[tilespmem:s20], [sflag:$0x1] =	stream.indirect_vreg.gather [hbm4b:s8+s3], $0x80, v3, vm0, $0xb8;
	[tilespmem:$0x18200] =	vst v63  }
0x43: {  	s17 =	simm.s32 $0x5900  }
0x44: {  	[tilespmem:s17], [sflag:$0x1] =	stream.indirect_vreg.gather [hbm4b:s9+s3], $0x80, v3, vm0, $0xb8;
	[tilespmem:$0x18200] =	vst v63  }
0x45: {  	v3 =	vld [tilespmem:$0x20];
	_ =	sdelay $0x4  }
0x46: {  	v4 =	vshrl.u32 v3, $0x3  }
0x47: {  	v4 =	vmul.u32 $0x30, v4  }
0x48: {  	v3 =	vand.u32 $0x7, v3  }
0x49: {  	v3 =	vor.u32 v3, v4  }
0x4a: {  	v4 =	vperm.xlane v3, v0;
	_ =	sdelay $0x1  }
0x4b: {  	v4 =	vadd.s32 v1, v4;
	_ =	sdelay $0x3  }
0x4c: {  	s18 =	simm.s32 $0x6100;
	v3 =	vperm.xlane v3, v2  }
0x4d: {  	[tilespmem:s18], [sflag:$0x1] =	stream.indirect_vreg.gather [hbm4b:s1+s3], $0x80, v4, vm0, $0xb8;
	[tilespmem:$0x18200] =	vst v63  }
0x4e: {  	s19 =	simm.s32 $0x6900;
	v3 =	vadd.s32 v1, v3  }
0x4f: {  	[tilespmem:s19], [sflag:$0x1] =	stream.indirect_vreg.gather [hbm4b:s8+s3], $0x80, v4, vm0, $0xb8;
	[tilespmem:$0x18200] =	vst v63  }
0x50: {  	s20 =	simm.s32 $0x7100  }
0x51: {  	[tilespmem:s20], [sflag:$0x1] =	stream.indirect_vreg.gather [hbm4b:s9+s3], $0x80, v4, vm0, $0xb8;
	[tilespmem:$0x18200] =	vst v63  }
0x52: {  	s17 =	simm.s32 $0x7900  }
0x53: {  	[tilespmem:s17], [sflag:$0x1] =	stream.indirect_vreg.gather [hbm4b:s1+s3], $0x80, v3, vm0, $0xb8;
	[tilespmem:$0x18200] =	vst v63  }
0x54: {  	s18 =	simm.s32 $0x8100  }
0x55: {  	[tilespmem:s18], [sflag:$0x1] =	stream.indirect_vreg.gather [hbm4b:s8+s3], $0x80, v3, vm0, $0xb8;
	[tilespmem:$0x18200] =	vst v63  }
0x56: {  	s19 =	simm.s32 $0x8900  }
0x57: {  	[tilespmem:s19], [sflag:$0x1] =	stream.indirect_vreg.gather [hbm4b:s9+s3], $0x80, v3, vm0, $0xb8;
	[tilespmem:$0x18200] =	vst v63  }
0x58: {  	v3 =	vld [tilespmem:$0x30];
	_ =	sdelay $0x4  }
0x59: {  	v4 =	vshrl.u32 v3, $0x3  }
0x5a: {  	v4 =	vmul.u32 $0x30, v4  }
0x5b: {  	v3 =	vand.u32 $0x7, v3  }
0x5c: {  	v3 =	vor.u32 v3, v4  }
0x5d: {  	v4 =	vperm.xlane v3, v0;
	_ =	sdelay $0x1  }
0x5e: {  	v4 =	vadd.s32 v1, v4;
	_ =	sdelay $0x3  }
0x5f: {  	s20 =	simm.s32 $0x9100;
	v3 =	vperm.xlane v3, v2  }
0x60: {  	[tilespmem:s20], [sflag:$0x1] =	stream.indirect_vreg.gather [hbm4b:s1+s3], $0x80, v4, vm0, $0xb8;
	[tilespmem:$0x18200] =	vst v63  }
0x61: {  	s17 =	simm.s32 $0x9900;
	v3 =	vadd.s32 v1, v3  }
0x62: {  	[tilespmem:s17], [sflag:$0x1] =	stream.indirect_vreg.gather [hbm4b:s8+s3], $0x80, v4, vm0, $0xb8;
	[tilespmem:$0x18200] =	vst v63  }
0x63: {  	s18 =	simm.s32 $0xA100  }
0x64: {  	[tilespmem:s18], [sflag:$0x1] =	stream.indirect_vreg.gather [hbm4b:s9+s3], $0x80, v4, vm0, $0xb8;
	[tilespmem:$0x18200] =	vst v63  }
0x65: {  	s19 =	simm.s32 $0xA900  }
0x66: {  	[tilespmem:s19], [sflag:$0x1] =	stream.indirect_vreg.gather [hbm4b:s1+s3], $0x80, v3, vm0, $0xb8;
	[tilespmem:$0x18200] =	vst v63  }
0x67: {  	s20 =	simm.s32 $0xB100  }
0x68: {  	[tilespmem:s20], [sflag:$0x1] =	stream.indirect_vreg.gather [hbm4b:s8+s3], $0x80, v3, vm0, $0xb8;
	[tilespmem:$0x18200] =	vst v63  }
0x69: {  	s17 =	simm.s32 $0xB900  }
0x6a: {  	[tilespmem:s17], [sflag:$0x1] =	stream.indirect_vreg.gather [hbm4b:s9+s3], $0x80, v3, vm0, $0xb8;
	[tilespmem:$0x18200] =	vst v63  }
0x6b: {  	_ =	swait.ge [sflag:s23], $0xC000  }
0x6c: {  	[sflag:s23] =	ssyncset.done $0x0  }
0x6d: {  	[sflag:s23] =	ssyncadd.s32 $0xFFFF4000  }
0x6e: {  	v3 =	vld [tilespmem:$0x80];
	_ =	sdelay $0x4  }
0x6f: {  	v4 =	vshrl.u32 v3, $0x3  }
0x70: {  	v4 =	vmul.u32 $0x30, v4  }
0x71: {  	v3 =	vand.u32 $0x7, v3  }
0x72: {  	v3 =	vor.u32 v3, v4  }
0x73: {  	v4 =	vperm.xlane v3, v0;
	_ =	sdelay $0x1  }
0x74: {  	v4 =	vadd.s32 v1, v4;
	_ =	sdelay $0x3  }
0x75: {  	s18 =	simm.s32 $0xC100;
	v3 =	vperm.xlane v3, v2  }
0x76: {  	[tilespmem:s18], [sflag:$0x1] =	stream.indirect_vreg.gather [hbm4b:s1+s3], $0x80, v4, vm0, $0xb8;
	[tilespmem:$0x18200] =	vst v63  }
0x77: {  	s19 =	simm.s32 $0xC900;
	v3 =	vadd.s32 v1, v3  }
0x78: {  	[tilespmem:s19], [sflag:$0x1] =	stream.indirect_vreg.gather [hbm4b:s8+s3], $0x80, v4, vm0, $0xb8;
	[tilespmem:$0x18200] =	vst v63  }
0x79: {  	s20 =	simm.s32 $0xD100  }
0x7a: {  	[tilespmem:s20], [sflag:$0x1] =	stream.indirect_vreg.gather [hbm4b:s9+s3], $0x80, v4, vm0, $0xb8;
	[tilespmem:$0x18200] =	vst v63  }
0x7b: {  	s17 =	simm.s32 $0xD900  }
0x7c: {  	[tilespmem:s17], [sflag:$0x1] =	stream.indirect_vreg.gather [hbm4b:s1+s3], $0x80, v3, vm0, $0xb8;
	[tilespmem:$0x18200] =	vst v63  }
0x7d: {  	s18 =	simm.s32 $0xE100  }
0x7e: {  	[tilespmem:s18], [sflag:$0x1] =	stream.indirect_vreg.gather [hbm4b:s8+s3], $0x80, v3, vm0, $0xb8;
	[tilespmem:$0x18200] =	vst v63  }
0x7f: {  	s19 =	simm.s32 $0xE900  }
0x80: {  	[tilespmem:s19], [sflag:$0x1] =	stream.indirect_vreg.gather [hbm4b:s9+s3], $0x80, v3, vm0, $0xb8;
	[tilespmem:$0x18200] =	vst v63  }
0x81: {  	v3 =	vld [tilespmem:$0x90];
	_ =	sdelay $0x4  }
0x82: {  	v4 =	vshrl.u32 v3, $0x3  }
0x83: {  	v4 =	vmul.u32 $0x30, v4  }
0x84: {  	v3 =	vand.u32 $0x7, v3  }
0x85: {  	v3 =	vor.u32 v3, v4  }
0x86: {  	v4 =	vperm.xlane v3, v0;
	_ =	sdelay $0x1  }
0x87: {  	v4 =	vadd.s32 v1, v4;
	_ =	sdelay $0x3  }
0x88: {  	s20 =	simm.s32 $0xF100;
	v3 =	vperm.xlane v3, v2  }
0x89: {  	[tilespmem:s20], [sflag:$0x1] =	stream.indirect_vreg.gather [hbm4b:s1+s3], $0x80, v4, vm0, $0xb8;
	[tilespmem:$0x18200] =	vst v63  }
0x8a: {  	s17 =	simm.s32 $0xF900;
	v3 =	vadd.s32 v1, v3  }
0x8b: {  	[tilespmem:s17], [sflag:$0x1] =	stream.indirect_vreg.gather [hbm4b:s8+s3], $0x80, v4, vm0, $0xb8;
	[tilespmem:$0x18200] =	vst v63  }
0x8c: {  	s18 =	simm.s32 $0x10100  }
0x8d: {  	[tilespmem:s18], [sflag:$0x1] =	stream.indirect_vreg.gather [hbm4b:s9+s3], $0x80, v4, vm0, $0xb8;
	[tilespmem:$0x18200] =	vst v63  }
0x8e: {  	s19 =	simm.s32 $0x10900  }
0x8f: {  	[tilespmem:s19], [sflag:$0x1] =	stream.indirect_vreg.gather [hbm4b:s1+s3], $0x80, v3, vm0, $0xb8;
	[tilespmem:$0x18200] =	vst v63  }
0x90: {  	s20 =	simm.s32 $0x11100  }
0x91: {  	[tilespmem:s20], [sflag:$0x1] =	stream.indirect_vreg.gather [hbm4b:s8+s3], $0x80, v3, vm0, $0xb8;
	[tilespmem:$0x18200] =	vst v63  }
0x92: {  	s17 =	simm.s32 $0x11900  }
0x93: {  	[tilespmem:s17], [sflag:$0x1] =	stream.indirect_vreg.gather [hbm4b:s9+s3], $0x80, v3, vm0, $0xb8;
	[tilespmem:$0x18200] =	vst v63  }
0x94: {  	v3 =	vld [tilespmem:$0xA0];
	_ =	sdelay $0x4  }
0x95: {  	v4 =	vshrl.u32 v3, $0x3  }
0x96: {  	v4 =	vmul.u32 $0x30, v4  }
0x97: {  	v3 =	vand.u32 $0x7, v3  }
0x98: {  	v3 =	vor.u32 v3, v4  }
0x99: {  	v4 =	vperm.xlane v3, v0;
	_ =	sdelay $0x1  }
0x9a: {  	v4 =	vadd.s32 v1, v4;
	_ =	sdelay $0x3  }
0x9b: {  	s18 =	simm.s32 $0x12100;
	v3 =	vperm.xlane v3, v2  }
0x9c: {  	[tilespmem:s18], [sflag:$0x1] =	stream.indirect_vreg.gather [hbm4b:s1+s3], $0x80, v4, vm0, $0xb8;
	[tilespmem:$0x18200] =	vst v63  }
0x9d: {  	s19 =	simm.s32 $0x12900;
	v3 =	vadd.s32 v1, v3  }
0x9e: {  	[tilespmem:s19], [sflag:$0x1] =	stream.indirect_vreg.gather [hbm4b:s8+s3], $0x80, v4, vm0, $0xb8;
	[tilespmem:$0x18200] =	vst v63  }
0x9f: {  	_ = 	snop  }
0xa0: {  	[tilespmem:s21], [sflag:$0x1] =	stream.indirect_vreg.gather [hbm4b:s9+s3], $0x80, v4, vm0, $0xb8;
	[tilespmem:$0x18200] =	vst v63  }
0xa1: {  	_ = 	snop  }
0xa2: {  	[tilespmem:s22], [sflag:$0x1] =	stream.indirect_vreg.gather [hbm4b:s1+s3], $0x80, v3, vm0, $0xb8;
	[tilespmem:$0x18200] =	vst v63  }
0xa3: {  	_ = 	snop  }
0xa4: {  	[tilespmem:s24], [sflag:$0x1] =	stream.indirect_vreg.gather [hbm4b:s8+s3], $0x80, v3, vm0, $0xb8;
	[tilespmem:$0x18200] =	vst v63  }
0xa5: {  	_ = 	snop  }
0xa6: {  	[tilespmem:s25], [sflag:$0x1] =	stream.indirect_vreg.gather [hbm4b:s9+s3], $0x80, v3, vm0, $0xb8;
	[tilespmem:$0x18200] =	vst v63  }
0xa7: {  	v3 =	vld [tilespmem:$0xB0];
	_ =	sdelay $0x4  }
0xa8: {  	v4 =	vshrl.u32 v3, $0x3  }
0xa9: {  	v4 =	vmul.u32 $0x30, v4  }
0xaa: {  	v3 =	vand.u32 $0x7, v3  }
0xab: {  	v3 =	vor.u32 v3, v4  }
0xac: {  	v4 =	vperm.xlane v3, v0;
	_ =	sdelay $0x1  }
0xad: {  	v4 =	vadd.s32 v1, v4;
	_ =	sdelay $0x3  }
0xae: {  	v3 =	vperm.xlane v3, v2  }
0xaf: {  	[tilespmem:s26], [sflag:$0x1] =	stream.indirect_vreg.gather [hbm4b:s1+s3], $0x80, v4, vm0, $0xb8;
	[tilespmem:$0x18200] =	vst v63  }
0xb0: {  	v3 =	vadd.s32 v1, v3  }
0xb1: {  	[tilespmem:s28], [sflag:$0x1] =	stream.indirect_vreg.gather [hbm4b:s8+s3], $0x80, v4, vm0, $0xb8;
	[tilespmem:$0x18200] =	vst v63  }
0xb2: {  	_ = 	snop  }
0xb3: {  	[tilespmem:s29], [sflag:$0x1] =	stream.indirect_vreg.gather [hbm4b:s9+s3], $0x80, v4, vm0, $0xb8;
	[tilespmem:$0x18200] =	vst v63  }
0xb4: {  	_ = 	snop  }
0xb5: {  	[tilespmem:s30], [sflag:$0x1] =	stream.indirect_vreg.gather [hbm4b:s1+s3], $0x80, v3, vm0, $0xb8;
	[tilespmem:$0x18200] =	vst v63  }
0xb6: {  	_ = 	snop  }
0xb7: {  	[tilespmem:s31], [sflag:$0x1] =	stream.indirect_vreg.gather [hbm4b:s8+s3], $0x80, v3, vm0, $0xb8;
	[tilespmem:$0x18200] =	vst v63  }
0xb8: {  	s20 =	simm.s32 $0x0  }
0xb9: {  	[tilespmem:s0], [sflag:$0x1] =	stream.indirect_vreg.gather [hbm4b:s9+s3], $0x80, v3, vm0, $0xb8;
	[tilespmem:$0x18200] =	vst v63  }
0xba: {  	s13 =	smul.u32 $0x1800, s20;
	_ =	swait.ge [sflag:s23], $0xC000  }
0xbb: {  	s17 =	sand.u32 $0x380, s3;
	[sflag:s23] =	ssyncset.done $0x0  }
0xbc: {  	s13 =	sor.u32 s17, s13;
	[sflag:s23] =	ssyncadd.s32 $0xFFFF4000  }
0xbd: {  	v4 =	vld [tilespmem:s13+$0x110]  }
0xbe: {  	v3 =	vld [tilespmem:s13+$0xC110]  }
0xbf: {  	v6 =	vld [tilespmem:s13+$0x120]  }
0xc0: {  	v5 =	vld [tilespmem:s13+$0xC120]  }
0xc1: {  	v8 =	vld [tilespmem:s13+$0x130]  }
0xc2: {  	v7 =	vld [tilespmem:s13+$0xC130]  }
0xc3: {  	v10 =	vld [tilespmem:s13+$0x140]  }
0xc4: {  	v9 =	vld [tilespmem:s13+$0xC140]  }
0xc5: {  	v12 =	vld [tilespmem:s13+$0x150]  }
0xc6: {  	v11 =	vld [tilespmem:s13+$0xC150]  }
0xc7: {  	v13 =	vld [tilespmem:s13+$0x160]  }
0xc8: {  	v14 =	vld [tilespmem:s13+$0x170]  }
0xc9: {  	v15 =	vld [tilespmem:s13+$0x500]  }
0xca: {  	v16 =	vld [tilespmem:s13+$0x510]  }
0xcb: {  	v17 =	vld [tilespmem:s13+$0x520]  }
0xcc: {  	v18 =	vld [tilespmem:s13+$0x530]  }
0xcd: {  	v19 =	vld [tilespmem:s13+$0x540]  }
0xce: {  	v20 =	vld [tilespmem:s13+$0x550]  }
0xcf: {  	v21 =	vld [tilespmem:s13+$0x560]  }
0xd0: {  	v22 =	vld [tilespmem:s13+$0x570]  }
0xd1: {  	v23 =	vld [tilespmem:s13+$0x900]  }
0xd2: {  	v24 =	vld [tilespmem:s13+$0x910]  }
0xd3: {  	v25 =	vld [tilespmem:s13+$0x920]  }
0xd4: {  	v26 =	vld [tilespmem:s13+$0x930]  }
0xd5: {  	v27 =	vld [tilespmem:s13+$0x940]  }
0xd6: {  	v28 =	vld [tilespmem:s13+$0x950]  }
0xd7: {  	v29 =	vld [tilespmem:s13+$0x960]  }
0xd8: {  	v30 =	vld [tilespmem:s13+$0x970]  }
0xd9: {  	v32 =	vld [tilespmem:s13+$0xD00]  }
0xda: {  	v34 =	vld [tilespmem:s13+$0xD10]  }
0xdb: {  	v35 =	vld [tilespmem:s13+$0xD20]  }
0xdc: {  	v36 =	vld [tilespmem:s13+$0xD30]  }
0xdd: {  	v37 =	vld [tilespmem:s13+$0xD40]  }
0xde: {  	v38 =	vld [tilespmem:s13+$0xD50]  }
0xdf: {  	v39 =	vld [tilespmem:s13+$0xD60]  }
0xe0: {  	v40 =	vld [tilespmem:s13+$0xD70]  }
0xe1: {  	v41 =	vld [tilespmem:s13+$0x1100]  }
0xe2: {  	v42 =	vld [tilespmem:s13+$0x1110]  }
0xe3: {  	v43 =	vld [tilespmem:s13+$0x1120]  }
0xe4: {  	v44 =	vld [tilespmem:s13+$0x1130]  }
0xe5: {  	v45 =	vld [tilespmem:s13+$0x1140]  }
0xe6: {  	v46 =	vld [tilespmem:s13+$0x1150]  }
0xe7: {  	v47 =	vld [tilespmem:s13+$0x1160]  }
0xe8: {  	v50 =	vmov s3;
	v48 =	vld [tilespmem:s13+$0x1500]  }
0xe9: {  	s17 =	simm.s32 $0x1;
	s18 =	simm.s32 $0x0;
	v49 =	vld [tilespmem:s13+$0x1510]  }
.LBB2_2:
0xea: {  	p0 =	sne.s32 s17, $0x3F;
	v51 =	vld [tilespmem:s13+$0xD510]  }
0xeb: {  	v52 =	vld [tilespmem:s13+$0xD530]  }
0xec: {  	v53 =	vld [tilespmem:s13+$0x1520]  }
0xed: {  	v33 =	vld.idx.msk [tilespmem:v50+s14+$0x0], $0xffff  }
0xee: {  	v31 =	vld.idx.msk [tilespmem:v50+s15+$0x0], $0xffff  }
0xef: {  	v50 =	vld [tilespmem:s13+$0x1530]  }
0xf0: {  	v54 =	vld [tilespmem:s13+$0xD520]  }
0xf1: {  	v55 =	vld [tilespmem:s13+$0xD500]  }
0xf2: {  	v56 =	vld [tilespmem:s13+$0x1170]  }
0xf3: {  	v49 =	vmul.f32 v49, v33;
	v53 =	vmul.f32 v53, v33;
	v57 =	vld [tilespmem:s13+$0xD170]  }
0xf4: {  	v52 =	vmul.f32 v52, v31;
	v58 =	vld [tilespmem:s13+$0xD160];
	v50 =	vmul.f32 v50, v33  }
0xf5: {  	v51 =	vmul.f32 v51, v31;
	v59 =	vld [tilespmem:s13+$0xD150];
	v54 =	vmul.f32 v54, v31  }
0xf6: {  	v48 =	vmul.f32 v48, v33;
	v60 =	vld [tilespmem:s13+$0xD140];
	v55 =	vmul.f32 v55, v31;
	v50 =	vadd.f32 v52, v50  }
0xf7: {  	v49 =	vadd.f32 v51, v49;
	v52 =	vld [tilespmem:s13+$0xD130];
	v56 =	vmul.f32 v56, v33;
	v51 =	vadd.f32 v54, v53  }
0xf8: {  	v47 =	vmul.f32 v47, v33;
	v53 =	vld [tilespmem:s13+$0xD120];
	v54 =	vmul.f32 v57, v31;
	v48 =	vadd.f32 v55, v48;
	[tilespmem:s13+$0x1530] =	vst v50  }
0xf9: {  	v46 =	vmul.f32 v46, v33;
	v50 =	vld [tilespmem:s13+$0xD110];
	v55 =	vmul.f32 v58, v31;
	[tilespmem:s13+$0x1520] =	vst v51  }
0xfa: {  	v45 =	vmul.f32 v45, v33;
	v51 =	vld [tilespmem:s13+$0xD100];
	v57 =	vmul.f32 v59, v31;
	v54 =	vadd.f32 v54, v56;
	[tilespmem:s13+$0x1510] =	vst v49  }
0xfb: {  	v44 =	vmul.f32 v44, v33;
	v49 =	vld [tilespmem:s13+$0xCD70];
	v56 =	vmul.f32 v60, v31;
	v47 =	vadd.f32 v55, v47;
	[tilespmem:s13+$0x1500] =	vst v48  }
0xfc: {  	v43 =	vmul.f32 v43, v33;
	v48 =	vld [tilespmem:s13+$0xCD60];
	v52 =	vmul.f32 v52, v31;
	v46 =	vadd.f32 v57, v46;
	[tilespmem:s13+$0x1170] =	vst v54  }
0xfd: {  	v42 =	vmul.f32 v42, v33;
	v54 =	vld [tilespmem:s13+$0xCD50];
	v53 =	vmul.f32 v53, v31;
	v45 =	vadd.f32 v56, v45;
	[tilespmem:s13+$0x1160] =	vst v47  }
0xfe: {  	v41 =	vmul.f32 v41, v33;
	v47 =	vld [tilespmem:s13+$0xCD40];
	v50 =	vmul.f32 v50, v31;
	v44 =	vadd.f32 v52, v44;
	[tilespmem:s13+$0x1150] =	vst v46  }
0xff: {  	v40 =	vmul.f32 v40, v33;
	v46 =	vld [tilespmem:s13+$0xCD30];
	v51 =	vmul.f32 v51, v31;
	v43 =	vadd.f32 v53, v43;
	[tilespmem:s13+$0x1140] =	vst v45  }
0x100: {  	v39 =	vmul.f32 v39, v33;
	v45 =	vld [tilespmem:s13+$0xCD20];
	v49 =	vmul.f32 v49, v31;
	v42 =	vadd.f32 v50, v42;
	[tilespmem:s13+$0x1130] =	vst v44  }
0x101: {  	v38 =	vmul.f32 v38, v33;
	v44 =	vld [tilespmem:s13+$0xCD10];
	v48 =	vmul.f32 v48, v31;
	v41 =	vadd.f32 v51, v41;
	[tilespmem:s13+$0x1120] =	vst v43  }
0x102: {  	v37 =	vmul.f32 v37, v33;
	v43 =	vld [tilespmem:s13+$0xCD00];
	v50 =	vmul.f32 v54, v31;
	v40 =	vadd.f32 v49, v40;
	[tilespmem:s13+$0x1110] =	vst v42  }
0x103: {  	v36 =	vmul.f32 v36, v33;
	v42 =	vld [tilespmem:s13+$0xC970];
	v47 =	vmul.f32 v47, v31;
	v39 =	vadd.f32 v48, v39;
	[tilespmem:s13+$0x1100] =	vst v41  }
0x104: {  	v35 =	vmul.f32 v35, v33;
	v41 =	vld [tilespmem:s13+$0xC960];
	v46 =	vmul.f32 v46, v31;
	v38 =	vadd.f32 v50, v38;
	[tilespmem:s13+$0xD70] =	vst v40  }
0x105: {  	v34 =	vmul.f32 v34, v33;
	v40 =	vld [tilespmem:s13+$0xC950];
	v45 =	vmul.f32 v45, v31;
	v37 =	vadd.f32 v47, v37;
	[tilespmem:s13+$0xD60] =	vst v39  }
0x106: {  	v32 =	vmul.f32 v32, v33;
	v39 =	vld [tilespmem:s13+$0xC940];
	v44 =	vmul.f32 v44, v31;
	v36 =	vadd.f32 v46, v36;
	[tilespmem:s13+$0xD50] =	vst v38  }
0x107: {  	v30 =	vmul.f32 v30, v33;
	v38 =	vld [tilespmem:s13+$0xC930];
	v43 =	vmul.f32 v43, v31;
	v35 =	vadd.f32 v45, v35;
	[tilespmem:s13+$0xD40] =	vst v37  }
0x108: {  	v29 =	vmul.f32 v29, v33;
	v37 =	vld [tilespmem:s13+$0xC920];
	v42 =	vmul.f32 v42, v31;
	v34 =	vadd.f32 v44, v34;
	[tilespmem:s13+$0xD30] =	vst v36  }
0x109: {  	v28 =	vmul.f32 v28, v33;
	v36 =	vld [tilespmem:s13+$0xC910];
	v41 =	vmul.f32 v41, v31;
	v32 =	vadd.f32 v43, v32;
	[tilespmem:s13+$0xD20] =	vst v35  }
0x10a: {  	v27 =	vmul.f32 v27, v33;
	v35 =	vld [tilespmem:s13+$0xC900];
	v40 =	vmul.f32 v40, v31;
	v30 =	vadd.f32 v42, v30;
	[tilespmem:s13+$0xD10] =	vst v34  }
0x10b: {  	v26 =	vmul.f32 v26, v33;
	v34 =	vld [tilespmem:s13+$0xC570];
	v39 =	vmul.f32 v39, v31;
	v29 =	vadd.f32 v41, v29;
	[tilespmem:s13+$0xD00] =	vst v32  }
0x10c: {  	v25 =	vmul.f32 v25, v33;
	v32 =	vld [tilespmem:s13+$0xC560];
	v38 =	vmul.f32 v38, v31;
	v28 =	vadd.f32 v40, v28;
	[tilespmem:s13+$0x970] =	vst v30  }
0x10d: {  	v24 =	vmul.f32 v24, v33;
	v30 =	vld [tilespmem:s13+$0xC550];
	v37 =	vmul.f32 v37, v31;
	v27 =	vadd.f32 v39, v27;
	[tilespmem:s13+$0x960] =	vst v29  }
0x10e: {  	v23 =	vmul.f32 v23, v33;
	v29 =	vld [tilespmem:s13+$0xC540];
	v36 =	vmul.f32 v36, v31;
	v26 =	vadd.f32 v38, v26;
	[tilespmem:s13+$0x950] =	vst v28  }
0x10f: {  	v22 =	vmul.f32 v22, v33;
	v28 =	vld [tilespmem:s13+$0xC530];
	v35 =	vmul.f32 v35, v31;
	v25 =	vadd.f32 v37, v25;
	[tilespmem:s13+$0x940] =	vst v27  }
0x110: {  	v21 =	vmul.f32 v21, v33;
	v27 =	vld [tilespmem:s13+$0xC520];
	v34 =	vmul.f32 v34, v31;
	v24 =	vadd.f32 v36, v24;
	[tilespmem:s13+$0x930] =	vst v26  }
0x111: {  	v20 =	vmul.f32 v20, v33;
	v26 =	vld [tilespmem:s13+$0xC510];
	v32 =	vmul.f32 v32, v31;
	v23 =	vadd.f32 v35, v23;
	[tilespmem:s13+$0x920] =	vst v25  }
0x112: {  	v19 =	vmul.f32 v19, v33;
	v25 =	vld [tilespmem:s13+$0xC500];
	v30 =	vmul.f32 v30, v31;
	v22 =	vadd.f32 v34, v22;
	[tilespmem:s13+$0x910] =	vst v24  }
0x113: {  	v18 =	vmul.f32 v18, v33;
	v24 =	vld [tilespmem:s13+$0xC170];
	v29 =	vmul.f32 v29, v31;
	v21 =	vadd.f32 v32, v21;
	[tilespmem:s13+$0x900] =	vst v23  }
0x114: {  	v17 =	vmul.f32 v17, v33;
	v23 =	vld [tilespmem:s13+$0xC160];
	v28 =	vmul.f32 v28, v31;
	v20 =	vadd.f32 v30, v20;
	[tilespmem:s13+$0x570] =	vst v22  }
0x115: {  	v16 =	vmul.f32 v16, v33;
	v22 =	vmul.f32 v27, v31;
	v19 =	vadd.f32 v29, v19;
	[tilespmem:s13+$0x560] =	vst v21;
	v21 =	vld [tilespmem:s13+$0xD540]  }
0x116: {  	v15 =	vmul.f32 v15, v33;
	v26 =	vmul.f32 v26, v31;
	v18 =	vadd.f32 v28, v18;
	[tilespmem:s13+$0x550] =	vst v20;
	v20 =	vld [tilespmem:s13+$0xD550]  }
0x117: {  	v14 =	vmul.f32 v14, v33;
	v25 =	vmul.f32 v25, v31;
	v17 =	vadd.f32 v22, v17;
	[tilespmem:s13+$0x540] =	vst v19;
	v19 =	vld [tilespmem:s13+$0xD560]  }
0x118: {  	v13 =	vmul.f32 v13, v33;
	v22 =	vmul.f32 v24, v31;
	v16 =	vadd.f32 v26, v16;
	[tilespmem:s13+$0x530] =	vst v18;
	v18 =	vld [tilespmem:s13+$0xD570]  }
0x119: {  	v12 =	vmul.f32 v12, v33;
	v23 =	vmul.f32 v23, v31;
	v15 =	vadd.f32 v25, v15;
	[tilespmem:s13+$0x520] =	vst v17;
	v17 =	vld [tilespmem:s13+$0x1540]  }
0x11a: {  	v10 =	vmul.f32 v10, v33;
	v11 =	vmul.f32 v11, v31;
	v14 =	vadd.f32 v22, v14;
	[tilespmem:s13+$0x510] =	vst v16;
	v16 =	vld [tilespmem:s13+$0x1550]  }
0x11b: {  	v8 =	vmul.f32 v8, v33;
	v9 =	vmul.f32 v9, v31;
	v13 =	vadd.f32 v23, v13;
	[tilespmem:s13+$0x500] =	vst v15;
	v15 =	vld [tilespmem:s13+$0x1560]  }
0x11c: {  	v6 =	vmul.f32 v6, v33;
	v7 =	vmul.f32 v7, v31;
	v11 =	vadd.f32 v11, v12;
	[tilespmem:s13+$0x170] =	vst v14;
	v12 =	vld [tilespmem:s13+$0x1570]  }
0x11d: {  	v4 =	vmul.f32 v4, v33;
	v5 =	vmul.f32 v5, v31;
	v9 =	vadd.f32 v9, v10;
	v14 =	vld [tilespmem:s13+$0x100];
	[tilespmem:s13+$0x160] =	vst v13  }
0x11e: {  	v3 =	vmul.f32 v3, v31;
	v7 =	vadd.f32 v7, v8;
	v10 =	vld [tilespmem:s13+$0xC100];
	[tilespmem:s13+$0x150] =	vst v11;
	v8 =	vmul.f32 v17, v33  }
0x11f: {  	s19 =	sshrl.u32 s17, $0x3;
	v5 =	vadd.f32 v5, v6;
	v6 =	vmul.f32 v21, v31;
	[tilespmem:s13+$0x140] =	vst v9;
	v9 =	vmul.f32 v16, v33  }
0x120: {  	s18 =	sadd.s32 $0x80, s18;
	s19 =	smul.u32 $0x1800, s19;
	v3 =	vadd.f32 v3, v4;
	v4 =	vmul.f32 v20, v31;
	[tilespmem:s13+$0x130] =	vst v7;
	v7 =	vmul.f32 v15, v33  }
0x121: {  	s20 =	sand.u32 $0x380, s18;
	[tilespmem:s13+$0x120] =	vst v5;
	v5 =	vadd.f32 v6, v8;
	v6 =	vmul.f32 v19, v31;
	v8 =	vmul.f32 v12, v33  }
0x122: {  	s19 =	sor.u32 s20, s19;
	v9 =	vadd.f32 v4, v9;
	v12 =	vmul.f32 v18, v31;
	v11 =	vmul.f32 v14, v33;
	[tilespmem:s13+$0x110] =	vst v3  }
0x123: {  	v4 =	vld [tilespmem:s19+$0x110];
	v10 =	vmul.f32 v10, v31;
	[tilespmem:s13+$0x1540] =	vst v5;
	v5 =	vadd.f32 v6, v7  }
0x124: {  	v7 =	vadd.f32 v12, v8;
	v3 =	vld [tilespmem:s19+$0xC110];
	[tilespmem:s13+$0x1550] =	vst v9  }
0x125: {  	v6 =	vld [tilespmem:s19+$0x120];
	v9 =	vadd.f32 v10, v11;
	[tilespmem:s13+$0x1560] =	vst v5  }
0x126: {  	v5 =	vld [tilespmem:s19+$0xC120];
	[tilespmem:s13+$0x1570] =	vst v7  }
0x127: {  	v8 =	vld [tilespmem:s19+$0x130];
	[tilespmem:s13+$0x100] =	vst v9;
	s13 =	smov.u32 s19  }
0x128: {  	v7 =	vld [tilespmem:s13+$0xC130]  }
0x129: {  	v10 =	vld [tilespmem:s13+$0x140]  }
0x12a: {  	v9 =	vld [tilespmem:s13+$0xC140]  }
0x12b: {  	v12 =	vld [tilespmem:s13+$0x150]  }
0x12c: {  	v11 =	vld [tilespmem:s13+$0xC150]  }
0x12d: {  	v13 =	vld [tilespmem:s13+$0x160]  }
0x12e: {  	v14 =	vld [tilespmem:s13+$0x170]  }
0x12f: {  	v15 =	vld [tilespmem:s13+$0x500]  }
0x130: {  	v16 =	vld [tilespmem:s13+$0x510]  }
0x131: {  	v17 =	vld [tilespmem:s13+$0x520]  }
0x132: {  	v18 =	vld [tilespmem:s13+$0x530]  }
0x133: {  	v19 =	vld [tilespmem:s13+$0x540]  }
0x134: {  	v20 =	vld [tilespmem:s13+$0x550]  }
0x135: {  	v21 =	vld [tilespmem:s13+$0x560]  }
0x136: {  	v22 =	vld [tilespmem:s13+$0x570]  }
0x137: {  	v23 =	vld [tilespmem:s13+$0x900]  }
0x138: {  	v24 =	vld [tilespmem:s13+$0x910]  }
0x139: {  	v25 =	vld [tilespmem:s13+$0x920]  }
0x13a: {  	v26 =	vld [tilespmem:s13+$0x930]  }
0x13b: {  	v27 =	vld [tilespmem:s13+$0x940]  }
0x13c: {  	v28 =	vld [tilespmem:s13+$0x950]  }
0x13d: {  	v29 =	vld [tilespmem:s13+$0x960]  }
0x13e: {  	v30 =	vld [tilespmem:s13+$0x970]  }
0x13f: {  	v32 =	vld [tilespmem:s13+$0xD00]  }
0x140: {  	v34 =	vld [tilespmem:s13+$0xD10]  }
0x141: {  	v35 =	vld [tilespmem:s13+$0xD20]  }
0x142: {  	v36 =	vld [tilespmem:s13+$0xD30]  }
0x143: {  	v37 =	vld [tilespmem:s13+$0xD40]  }
0x144: {  	v38 =	vld [tilespmem:s13+$0xD50]  }
0x145: {  	v39 =	vld [tilespmem:s13+$0xD60]  }
0x146: {  	v40 =	vld [tilespmem:s13+$0xD70]  }
0x147: {  	v41 =	vld [tilespmem:s13+$0x1100]  }
0x148: {  	v42 =	vld [tilespmem:s13+$0x1110]  }
0x149: {  	v43 =	vld [tilespmem:s13+$0x1120]  }
0x14a: {  	v44 =	vld [tilespmem:s13+$0x1130]  }
.Ltmp0:
0x14b: {  	v45 =	vld [tilespmem:s13+$0x1140];
	(pc) =	sbr.rel @p0 .LBB2_2-.Ltmp0, $4  }
0x14c: {  	v46 =	vld [tilespmem:s13+$0x1150]  }
0x14d: {  	v47 =	vld [tilespmem:s13+$0x1160]  }
0x14e: {  	v50 =	vmov s17;
	v48 =	vld [tilespmem:s13+$0x1500]  }
0x14f: {  	s17 =	sadd.s32 $0x1, s17;
	v49 =	vld [tilespmem:s13+$0x1510]  }
0x150: {  	_ =	sdelay $0x1  }
0x151: {  	v52 =	vld [tilespmem:s13+$0xD530]  }
0x152: {  	v53 =	vld [tilespmem:s13+$0x1520]  }
0x153: {  	v31 =	vld.idx.msk [tilespmem:v50+s14+$0x0], $0xffff  }
0x154: {  	v33 =	vld.idx.msk [tilespmem:v50+s15+$0x0], $0xffff  }
0x155: {  	v61 =	vld [tilespmem:s13+$0x1530]  }
0x156: {  	v54 =	vld [tilespmem:s13+$0xD520]  }
0x157: {  	v51 =	vld [tilespmem:s13+$0xD510]  }
0x158: {  	v55 =	vld [tilespmem:s13+$0xD500]  }
0x159: {  	v56 =	vld [tilespmem:s13+$0x1170]  }
0x15a: {  	v58 =	vld [tilespmem:s13+$0xD160];
	v50 =	vmul.f32 v61, v31;
	v52 =	vmul.f32 v52, v33  }
0x15b: {  	v57 =	vld [tilespmem:s13+$0xD170];
	v53 =	vmul.f32 v53, v31;
	v54 =	vmul.f32 v54, v33  }
0x15c: {  	v59 =	vld [tilespmem:s13+$0xD150];
	v49 =	vmul.f32 v49, v31;
	v51 =	vmul.f32 v51, v33  }
0x15d: {  	v60 =	vld [tilespmem:s13+$0xD140];
	v48 =	vmul.f32 v48, v31;
	v62 =	vmul.f32 v55, v33;
	v50 =	vadd.f32 v52, v50  }
0x15e: {  	v61 =	vld [tilespmem:s13+$0xD120];
	v63 =	vmul.f32 v56, v31;
	v47 =	vmul.f32 v47, v31;
	v53 =	vadd.f32 v54, v53  }
0x15f: {  	v58 =	vmul.f32 v58, v33;
	v55 =	vld [tilespmem:s13+$0xC560];
	v12 =	vmul.f32 v12, v31;
	v49 =	vadd.f32 v51, v49;
	[tilespmem:s13+$0x1530] =	vst v50  }
0x160: {  	v56 =	vld [tilespmem:s13+$0xC550];
	v11 =	vmul.f32 v11, v33;
	v10 =	vmul.f32 v10, v31;
	v48 =	vadd.f32 v62, v48;
	[tilespmem:s13+$0x1520] =	vst v53  }
0x161: {  	v9 =	vmul.f32 v9, v33;
	v8 =	vmul.f32 v8, v31;
	v52 =	vld [tilespmem:s13+$0xD130];
	v47 =	vadd.f32 v58, v47;
	[tilespmem:s13+$0x1510] =	vst v49  }
0x162: {  	v7 =	vmul.f32 v7, v33;
	v6 =	vmul.f32 v6, v31;
	v51 =	vld [tilespmem:s13+$0xD100];
	v11 =	vadd.f32 v11, v12;
	[tilespmem:s13+$0x1500] =	vst v48  }
0x163: {  	v5 =	vmul.f32 v5, v33;
	v4 =	vmul.f32 v4, v31;
	v58 =	vld [tilespmem:s13+$0xCD20];
	v9 =	vadd.f32 v9, v10;
	[tilespmem:s13+$0x1160] =	vst v47  }
0x164: {  	v3 =	vmul.f32 v3, v33;
	v62 =	vmul.f32 v59, v33;
	v59 =	vld [tilespmem:s13+$0xCD10];
	v7 =	vadd.f32 v7, v8;
	[tilespmem:s13+$0x150] =	vst v11  }
0x165: {  	v57 =	vmul.f32 v57, v33;
	v54 =	vld [tilespmem:s13+$0xC570];
	v5 =	vadd.f32 v5, v6;
	[tilespmem:s13+$0x140] =	vst v9  }
0x166: {  	v46 =	vmul.f32 v46, v31;
	v3 =	vadd.f32 v3, v4;
	v50 =	vld [tilespmem:s13+$0xD110];
	[tilespmem:s13+$0x130] =	vst v7  }
0x167: {  	v45 =	vmul.f32 v45, v31;
	v49 =	vld [tilespmem:s13+$0xCD70];
	v53 =	vadd.f32 v57, v63;
	v63 =	vmul.f32 v60, v33;
	[tilespmem:s13+$0x120] =	vst v5  }
0x168: {  	v43 =	vmul.f32 v43, v31;
	v48 =	vld [tilespmem:s13+$0xCD60];
	v46 =	vadd.f32 v62, v46;
	[tilespmem:s13+$0x110] =	vst v3;
	v57 =	vmul.f32 v61, v33  }
0x169: {  	v44 =	vmul.f32 v44, v31;
	v47 =	vld [tilespmem:s13+$0xCD40];
	[tilespmem:s13+$0x1170] =	vst v53;
	v45 =	vadd.f32 v63, v45;
	v52 =	vmul.f32 v52, v33  }
0x16a: {  	v41 =	vmul.f32 v41, v31;
	v60 =	vld [tilespmem:s13+$0xCD00];
	[tilespmem:s13+$0x1150] =	vst v46;
	v43 =	vadd.f32 v57, v43;
	v51 =	vmul.f32 v51, v33  }
0x16b: {  	v35 =	vmul.f32 v35, v31;
	v62 =	vld [tilespmem:s13+$0xC960];
	[tilespmem:s13+$0x1140] =	vst v45;
	v45 =	vmul.f32 v58, v33;
	v44 =	vadd.f32 v52, v44  }
0x16c: {  	v42 =	vmul.f32 v42, v31;
	v53 =	vld [tilespmem:s13+$0xCD50];
	v50 =	vmul.f32 v50, v33;
	[tilespmem:s13+$0x1120] =	vst v43;
	v41 =	vadd.f32 v51, v41  }
0x16d: {  	v40 =	vmul.f32 v40, v31;
	v46 =	vld [tilespmem:s13+$0xCD30];
	v49 =	vmul.f32 v49, v33;
	v35 =	vadd.f32 v45, v35;
	[tilespmem:s13+$0x1130] =	vst v44  }
0x16e: {  	v39 =	vmul.f32 v39, v31;
	v61 =	vld [tilespmem:s13+$0xC970];
	v48 =	vmul.f32 v48, v33;
	v42 =	vadd.f32 v50, v42;
	[tilespmem:s13+$0x1100] =	vst v41  }
0x16f: {  	v37 =	vmul.f32 v37, v31;
	v57 =	vld [tilespmem:s13+$0xC540];
	v47 =	vmul.f32 v47, v33;
	v40 =	vadd.f32 v49, v40;
	[tilespmem:s13+$0xD20] =	vst v35  }
0x170: {  	v32 =	vmul.f32 v32, v31;
	v58 =	vld [tilespmem:s13+$0xC530];
	v43 =	vmul.f32 v60, v33;
	v39 =	vadd.f32 v48, v39;
	[tilespmem:s13+$0x1110] =	vst v42  }
0x171: {  	v38 =	vmul.f32 v38, v31;
	v51 =	vld [tilespmem:s13+$0xC920];
	v63 =	vmul.f32 v53, v33;
	v37 =	vadd.f32 v47, v37;
	[tilespmem:s13+$0xD70] =	vst v40  }
0x172: {  	v36 =	vmul.f32 v36, v31;
	v52 =	vld [tilespmem:s13+$0xC910];
	v46 =	vmul.f32 v46, v33;
	v32 =	vadd.f32 v43, v32;
	[tilespmem:s13+$0xD60] =	vst v39  }
0x173: {  	v34 =	vmul.f32 v34, v31;
	v60 =	vld [tilespmem:s13+$0xC510];
	v44 =	vmul.f32 v59, v33;
	v38 =	vadd.f32 v63, v38;
	[tilespmem:s13+$0xD40] =	vst v37  }
0x174: {  	v29 =	vmul.f32 v29, v31;
	v45 =	vld [tilespmem:s13+$0x1540];
	v41 =	vmul.f32 v62, v33;
	v36 =	vadd.f32 v46, v36;
	[tilespmem:s13+$0xD00] =	vst v32  }
0x175: {  	v21 =	vmul.f32 v21, v31;
	v48 =	vld [tilespmem:s13+$0xC950];
	v62 =	vmul.f32 v55, v33;
	v34 =	vadd.f32 v44, v34;
	[tilespmem:s13+$0xD50] =	vst v38  }
0x176: {  	v30 =	vmul.f32 v30, v31;
	v49 =	vld [tilespmem:s13+$0xC940];
	v42 =	vmul.f32 v61, v33;
	v29 =	vadd.f32 v41, v29;
	[tilespmem:s13+$0xD30] =	vst v36  }
0x177: {  	v25 =	vmul.f32 v25, v31;
	v50 =	vld [tilespmem:s13+$0xC930];
	v21 =	vadd.f32 v62, v21;
	v37 =	vmul.f32 v51, v33;
	[tilespmem:s13+$0xD10] =	vst v34  }
0x178: {  	v16 =	vmul.f32 v16, v31;
	v53 =	vld [tilespmem:s13+$0xC900];
	v41 =	vmul.f32 v60, v33;
	v30 =	vadd.f32 v42, v30;
	[tilespmem:s13+$0x960] =	vst v29  }
0x179: {  	v24 =	vmul.f32 v24, v31;
	v59 =	vld [tilespmem:s13+$0xC520];
	v36 =	vmul.f32 v52, v33;
	[tilespmem:s13+$0x560] =	vst v21;
	v25 =	vadd.f32 v37, v25  }
0x17a: {  	v22 =	vmul.f32 v22, v31;
	v43 =	vld [tilespmem:s13+$0xD570];
	v34 =	vmul.f32 v54, v33;
	v16 =	vadd.f32 v41, v16;
	[tilespmem:s13+$0x970] =	vst v30  }
0x17b: {  	v28 =	vmul.f32 v28, v31;
	v61 =	vld [tilespmem:s13+$0xC500];
	v40 =	vmul.f32 v48, v33;
	v24 =	vadd.f32 v36, v24;
	[tilespmem:s13+$0x920] =	vst v25  }
0x17c: {  	v27 =	vmul.f32 v27, v31;
	v63 =	vld [tilespmem:s13+$0xC170];
	v39 =	vmul.f32 v49, v33;
	v22 =	vadd.f32 v34, v22;
	[tilespmem:s13+$0x510] =	vst v16  }
0x17d: {  	v26 =	vmul.f32 v26, v31;
	v46 =	vld [tilespmem:s13+$0x1550];
	v38 =	vmul.f32 v50, v33;
	v28 =	vadd.f32 v40, v28;
	[tilespmem:s13+$0x910] =	vst v24  }
0x17e: {  	v23 =	vmul.f32 v23, v31;
	v51 =	vld [tilespmem:s13+$0x100];
	v35 =	vmul.f32 v53, v33;
	v27 =	vadd.f32 v39, v27;
	[tilespmem:s13+$0x570] =	vst v22  }
0x17f: {  	v18 =	vmul.f32 v18, v31;
	v37 =	vmul.f32 v58, v33;
	v48 =	vld [tilespmem:s13+$0x1560];
	v26 =	vadd.f32 v38, v26;
	[tilespmem:s13+$0x950] =	vst v28  }
0x180: {  	v20 =	vmul.f32 v20, v31;
	v50 =	vld [tilespmem:s13+$0xC100];
	v30 =	vmul.f32 v56, v33;
	v23 =	vadd.f32 v35, v23;
	[tilespmem:s13+$0x940] =	vst v27  }
0x181: {  	v19 =	vmul.f32 v19, v31;
	v34 =	vld [tilespmem:s13+$0xC160];
	v35 =	vmul.f32 v57, v33;
	v18 =	vadd.f32 v37, v18;
	[tilespmem:s13+$0x930] =	vst v26  }
0x182: {  	v17 =	vmul.f32 v17, v31;
	v36 =	vld [tilespmem:s13+$0xD540];
	v39 =	vmul.f32 v59, v33;
	v20 =	vadd.f32 v30, v20;
	[tilespmem:s13+$0x900] =	vst v23  }
0x183: {  	v15 =	vmul.f32 v15, v31;
	v38 =	vld [tilespmem:s13+$0xD550];
	v42 =	vmul.f32 v61, v33;
	v19 =	vadd.f32 v35, v19;
	[tilespmem:s13+$0x530] =	vst v18  }
0x184: {  	v14 =	vmul.f32 v14, v31;
	v40 =	vld [tilespmem:s13+$0xD560];
	v44 =	vmul.f32 v63, v33;
	v17 =	vadd.f32 v39, v17;
	[tilespmem:s13+$0x550] =	vst v20  }
0x185: {  	v49 =	vld [tilespmem:s13+$0x1570];
	v61 =	vmul.f32 v51, v31;
	v15 =	vadd.f32 v42, v15;
	v10 =	vmul.f32 v50, v33;
	[tilespmem:s13+$0x540] =	vst v19  }
0x186: {  	v13 =	vmul.f32 v13, v31;
	v14 =	vadd.f32 v44, v14;
	[tilespmem:s13+$0x520] =	vst v17;
	v47 =	vmul.f32 v34, v33  }
0x187: {  	v52 =	vmul.f32 v45, v31;
	[tilespmem:s13+$0x500] =	vst v15;
	v53 =	vmul.f32 v36, v33;
	v63 =	vadd.f32 v10, v61  }
0x188: {  	v54 =	vmul.f32 v46, v31;
	[tilespmem:s13+$0x170] =	vst v14;
	v55 =	vmul.f32 v38, v33;
	v13 =	vadd.f32 v47, v13  }
0x189: {  	v56 =	vmul.f32 v48, v31;
	v58 =	vmul.f32 v40, v33;
	v57 =	vadd.f32 v53, v52;
	[tilespmem:s13+$0x100] =	vst v63  }
0x18a: {  	v60 =	vmul.f32 v43, v33;
	v59 =	vmul.f32 v49, v31;
	v3 =	vadd.f32 v55, v54;
	[tilespmem:s13+$0x160] =	vst v13  }
0x18b: {  	v62 =	vadd.f32 v58, v56;
	[tilespmem:s13+$0x1540] =	vst v57  }
0x18c: {  	s2 =	sadd.s32 $0x1, s2;
	[tilespmem:s13+$0x1550] =	vst v3;
	v3 =	vadd.f32 v60, v59  }
0x18d: {  	p0 =	sne.s32 s2, s11;
	[tilespmem:s13+$0x1560] =	vst v62  }
.Ltmp1:
0x18e: {  	[tilespmem:s13+$0x1570] =	vst v3;
	(pc) =	sbr.rel @p0 .LBB2_1-.Ltmp1, $4  }
0x18f: {  	[hbm4b:s10+s3] =	stream.linear.scatter [tilespmem:s16], [sflag:$0x2], $0xC000, $0x38;
	[tilespmem:$0x18200] =	vst v63  }
0x190: {  	_ =	swait.ge [sflag:s12], $0xC000  }
0x191: {  	[sflag:s12] =	ssyncset.done $0x0  }
0x192: {  	[sflag:s12] =	ssyncadd.s32 $0xFFFF4000  }
0x193: {  	_ =	sfence.sel $0x180000  }
0x194: {  	[bflag:$0x0] =	sbarrier.arrive $0xFFFF  }
0x195: {  	_ =	strace $0x9000004A  }
0x196: {  	s0 =	stileid.u32;
	[bflag:$0x2] =	sbarrier.arrive $0xFFFF  }
0x197: {  	p0 =	sne.s32 s0, $0x0;
	s0 =	rddreg [dreg:$0x2]  }
0x198: {  	s0 =	sadd.s32 @!p0 $0x100000, s0  }
0x199: {  	[sflag:s0] =	ssyncadd.tile.s32 @!p0 $0x1;
	_ =	shalt  }
.Lfunc_end2:
_tile_overlayer_lowered:
.L_overlay_start_2:
0x19a: {  	(tag) =	ssettag $0x2  }
0x19b: {  	s0 =	rddreg [dreg:$0x0];
	s2 =	stileid.u32  }
0x19c: {  	s1 =	rddreg [dreg:$0x1];
	p0 =	sne.s32 s2, $0x0  }
0x19d: {  	s3 =	rddreg [dreg:$0x2];
	[bflag:$0x3] =	sbarrier.arrive $0xFFFF;
	s2 =	simm.s32 @!p0 $0x1C02  }
0x19e: {  	[timem:s3], [sflag:s2] =	dma.local @!p0 [hbm:s0], s1  }
0x19f: {  	s0 =	simm.s32 @!p0 $0x2  }
0x1a0: {  	_ =	swait.ge @!p0 [sflag:s0], s1  }
0x1a1: {  	s1 =	ssub.s32 @!p0 $0x0, s1;
	[sflag:s0] =	ssyncset.done @!p0 $0x0  }
0x1a2: {  	[sflag:s0] =	ssyncadd.s32 @!p0 s1  }
0x1a3: {  	[bflag:$0x3] =	sbarrier.arrive $0xFFFF  }
0x1a4: {  	_ =	shalt  }

</sc_bundles>
